<compile_context>
chip_gen: v7x
topology: tpu7x:2x2x1
jax: 0.10.2.dev20260603
libtpu: 0.0.44.dev20260713+nightly
codegen_flags: <defaults>
</compile_context>

<pallas_src>
import functools

import jax
import jax.numpy as jnp
from jax import lax
from jax.experimental import pallas as pl
from jax.experimental.pallas import tpu as pltpu
from jax.experimental.pallas import tpu_sc as plsc

_CAPACITY = 0.125
_INT_MIN = -2147483648
_NC = 2
_NS = 16
_L = 16


def _select(rw, k):
    bits = lax.bitcast_convert_type(rw, jnp.int32)
    key = jnp.where(bits < 0, bits ^ 0x7FFFFFFF, bits)
    B, S = rw.shape

    def t_step(i, t):
        bit = 31 - i
        cand = t | (1 << bit)
        cand_s = cand ^ _INT_MIN
        cnt = jnp.sum((key >= cand_s).astype(jnp.int32), axis=1, keepdims=True)
        return jnp.where(cnt >= k, cand, t)

    t = lax.fori_loop(0, 32, t_step, jnp.zeros((B, 1), jnp.int32))
    thr = t ^ _INT_MIN

    gt = key > thr
    c_gt = jnp.sum(gt.astype(jnp.int32), axis=1, keepdims=True)
    need = k - c_gt
    eq = key == thr
    idx = lax.broadcasted_iota(jnp.int32, (B, S), 1)

    def c_step(i, t2):
        bit = 13 - i
        cand = t2 | (1 << bit)
        f = jnp.sum((eq & (idx < cand)).astype(jnp.int32), axis=1, keepdims=True)
        return jnp.where(f < need, cand, t2)

    t2 = lax.fori_loop(0, 14, c_step, jnp.zeros((B, 1), jnp.int32))
    return gt | (eq & (idx <= t2))


def _prep_body(x_ref, wr_ref, o_ref, m_ref, rw_ref, rw_s, *, n, k, rb):
    i = pl.program_id(0)

    @pl.when(i < n)
    def _copy_and_route():
        xb = x_ref[...]
        o_ref[...] = xb
        xb16 = xb.astype(jnp.bfloat16).astype(jnp.float32)
        wr16 = wr_ref[...].astype(jnp.bfloat16).astype(jnp.float32)
        rwb = jnp.sum(xb16 * wr16, axis=1)
        b = i // 8
        col = (i % 8) * rb
        rw_s[pl.ds(b, 1), pl.ds(col, rb)] = rwb.reshape(1, rb)

    @pl.when(i == n)
    def _select_step():
        rw = rw_s[...]
        rw_ref[...] = rw
        m_ref[...] = _select(rw, k).astype(jnp.float32)


def _gat(v, idx):
    return v.at[idx].get(mode="promise_in_bounds")


def _compact_body(mask_hbm, rw_hbm, topi, selw, mvm, rvm, tvm, wvm, *, S, k):
    c = lax.axis_index("c")
    s = lax.axis_index("s")
    wid = s * _NC + c

    @pl.when(wid < 4)
    def _():
        b = wid
        pltpu.sync_copy(mask_hbm.at[b], mvm)
        pltpu.sync_copy(rw_hbm.at[b], rvm)
        lanes = lax.broadcasted_iota(jnp.int32, (_L,), 0)
        zero = lanes * 0

        def body(ci, off):
            m = mvm[pl.ds(ci * _L, _L)] != 0.0
            w = rvm[pl.ds(ci * _L, _L)]
            gi = b * S + ci * _L + lanes
            p = jnp.where(m, zero + 1, zero)
            for sh in (1, 2, 4, 8):
                g = _gat(p, jnp.where(lanes >= sh, lanes - sh, zero))
                p = p + jnp.where(lanes >= sh, g, zero)
            tgt = lanes + 1
            iv = zero
            for sh in (8, 4, 2, 1):
                cand = iv + sh
                pv = _gat(p, cand - 1)
                iv = jnp.where(pv < tgt, cand, iv)
            ivc = jnp.where(iv > 15, zero + 15, iv)
            tvm[pl.ds(off, _L)] = _gat(gi, ivc)
            wvm[pl.ds(off, _L)] = _gat(w, ivc)
            return off + p[15]

        lax.fori_loop(0, S // _L, body, b * 0)
        pltpu.sync_copy(tvm.at[pl.ds(0, k)], topi.at[pl.ds(b * k, k)])
        pltpu.sync_copy(wvm.at[pl.ds(0, k)], selw.at[pl.ds(b * k, k)])


def _gather_body(topi, x2, sel, idx0, idx1, rows0, rows1, sem0, sem1, *, rpw):
    c = lax.axis_index("c")
    s = lax.axis_index("s")
    base = (s * _NC + c) * rpw
    h = rpw // 2
    pltpu.sync_copy(topi.at[pl.ds(base, h)], idx0)
    pltpu.sync_copy(topi.at[pl.ds(base + h, h)], idx1)
    d0 = pltpu.async_copy(x2.at[idx0], rows0, sem0)
    d1 = pltpu.async_copy(x2.at[idx1], rows1, sem1)
    d0.wait()
    pltpu.sync_copy(rows0, sel.at[pl.ds(base, h)])
    d1.wait()
    pltpu.sync_copy(rows1, sel.at[pl.ds(base + h, h)])


def _scatter_body(out_hbm, topi, trans, idxv, rows, sem, *, rpw):
    c = lax.axis_index("c")
    s = lax.axis_index("s")
    base = (s * _NC + c) * rpw
    pltpu.sync_copy(topi.at[pl.ds(base, rpw)], idxv)
    pltpu.sync_copy(trans.at[pl.ds(base, rpw)], rows)
    pltpu.async_copy(rows, out_hbm.at[idxv], sem).wait()


def _matmul_body(sel_ref, w_ref, wt_ref, bt_ref, br_ref, o_ref):
    sb = sel_ref[...]
    y = jnp.dot(sb.astype(jnp.bfloat16), wt_ref[...].astype(jnp.bfloat16),
                preferred_element_type=jnp.float32)
    y = y + bt_ref[...]
    w = w_ref[0, 0, :] + br_ref[0, 0]
    o_ref[...] = y * w[:, None]


def kernel(x, Wr, br, Wa, ba, Wt, bt):
    B, S, D = x.shape
    k = int(S * _CAPACITY)
    RB = 1024
    n = (B * S) // RB
    x2 = x.reshape(B * S, D)
    nsel = B * k
    rpw = nsel // (_NC * _NS)

    out2, mask, rw = pl.pallas_call(
        functools.partial(_prep_body, n=n, k=k, rb=RB),
        grid=(n + 1,),
        in_specs=[
            pl.BlockSpec((RB, D), lambda i: (jnp.minimum(i, 31), 0)),
            pl.BlockSpec((1, D), lambda i: (0, 0)),
        ],
        out_specs=(
            pl.BlockSpec((RB, D), lambda i: (jnp.minimum(i, 31), 0)),
            pl.BlockSpec((B, S), lambda i: (0, 0)),
            pl.BlockSpec((B, S), lambda i: (0, 0)),
        ),
        out_shape=(
            jax.ShapeDtypeStruct((B * S, D), jnp.float32),
            jax.ShapeDtypeStruct((B, S), jnp.float32),
            jax.ShapeDtypeStruct((B, S), jnp.float32),
        ),
        scratch_shapes=[pltpu.VMEM((B, S), jnp.float32)],
    )(x2, Wr.reshape(1, D))

    mesh = plsc.VectorSubcoreMesh(core_axis_name="c", subcore_axis_name="s")

    topi, selw = pl.kernel(
        functools.partial(_compact_body, S=S, k=k),
        out_type=(
            jax.ShapeDtypeStruct((nsel,), jnp.int32),
            jax.ShapeDtypeStruct((nsel,), jnp.float32),
        ),
        mesh=mesh,
        scratch_types=[
            pltpu.VMEM((S,), jnp.float32),
            pltpu.VMEM((S,), jnp.float32),
            pltpu.VMEM((k + _L,), jnp.int32),
            pltpu.VMEM((k + _L,), jnp.float32),
        ],
    )(mask, rw)

    sel = pl.kernel(
        functools.partial(_gather_body, rpw=rpw),
        out_type=jax.ShapeDtypeStruct((nsel, D), jnp.float32),
        mesh=mesh,
        scratch_types=[
            pltpu.VMEM((rpw // 2,), jnp.int32),
            pltpu.VMEM((rpw // 2,), jnp.int32),
            pltpu.VMEM((rpw // 2, D), jnp.float32),
            pltpu.VMEM((rpw // 2, D), jnp.float32),
            pltpu.SemaphoreType.DMA,
            pltpu.SemaphoreType.DMA,
        ],
    )(topi, x2)

    trans = pl.pallas_call(
        _matmul_body,
        grid=(B,),
        in_specs=[
            pl.BlockSpec((k, D), lambda i: (i, 0)),
            pl.BlockSpec((1, 1, k), lambda i: (i, 0, 0)),
            pl.BlockSpec((D, D), lambda i: (0, 0)),
            pl.BlockSpec((1, D), lambda i: (0, 0)),
            pl.BlockSpec((1, 1), lambda i: (0, 0)),
        ],
        out_specs=pl.BlockSpec((k, D), lambda i: (i, 0)),
        out_shape=jax.ShapeDtypeStruct((nsel, D), jnp.float32),
    )(sel, selw.reshape(B, 1, k), Wt, bt.reshape(1, D), br.reshape(1, 1))

    acc = jax.new_ref(out2)
    pl.kernel(
        functools.partial(_scatter_body, rpw=rpw),
        out_type=(),
        mesh=mesh,
        scratch_types=[
            pltpu.VMEM((rpw,), jnp.int32),
            pltpu.VMEM((rpw, D), jnp.float32),
            pltpu.SemaphoreType.DMA,
        ],
    )(acc, topi, trans)

    return acc[...].reshape(B, S, D)

# --- scband reference (transcript-rebuilt; emitter-appended) ---
"""Pipeline reference for scband-mo-dtransformer-block-1640677507296 (READ-ONLY COPY).

The authoritative reference and input builder live on the scoring server;
editing this copy changes nothing except your own understanding.
"""

import jax, jax.numpy as jnp
import numpy as np

CAPACITY = 0.125

def setup_inputs(seed: int = 0) -> dict:
    key = jax.random.key(seed)
    ks = jax.random.split(key, 6)
    B, S, D = 4, 8192, 768
    x = jax.random.normal(ks[0], (B, S, D), dtype=jnp.float32)
    # router_mlp: Linear(D, 1)
    Wr = jax.random.normal(ks[1], (D, 1), dtype=jnp.float32) * (1.0 / np.sqrt(D))
    br = jnp.zeros((1,), dtype=jnp.float32)
    # aux_mlp: Linear(D, 1)
    Wa = jax.random.normal(ks[2], (D, 1), dtype=jnp.float32) * (1.0 / np.sqrt(D))
    ba = jnp.zeros((1,), dtype=jnp.float32)
    # transformer_block stand-in: Linear(D, D) applied token-wise
    Wt = jax.random.normal(ks[3], (D, D), dtype=jnp.float32) * (1.0 / np.sqrt(D))
    bt = jnp.zeros((D,), dtype=jnp.float32)
    return {"x": x, "Wr": Wr, "br": br, "Wa": Wa, "ba": ba, "Wt": Wt, "bt": bt}

def reference(x, Wr, br, Wa, ba, Wt, bt):
    B, S, D = x.shape
    # router weights [B, S]
    router_weights = (x @ Wr + br)[..., 0]
    # training-mode path (nn.Module default): fixed-capacity top-k routing
    k = int(S * CAPACITY)
    _, topi = jax.lax.top_k(router_weights, k)  # [B, k]
    # aux path (trains aux_mlp on detached x; does not influence the returned output)
    aux_logits = (jax.lax.stop_gradient(x) @ Wa + ba)[..., 0]
    aux_targets = jnp.zeros((B, S), dtype=jnp.float32).at[jnp.arange(B)[:, None], topi].set(1.0)
    aux_loss = jnp.mean(jnp.maximum(aux_logits, 0.0) - aux_logits * aux_targets + jnp.log1p(jnp.exp(-jnp.abs(aux_logits))))
    del aux_loss
    # gather selected tokens, process through the block, scale by router weight
    sel = jnp.take_along_axis(x, topi[..., None], axis=1)              # [B, k, D]
    sel_w = jnp.take_along_axis(router_weights, topi, axis=1)[..., None]  # [B, k, 1]
    transformed = (sel @ Wt + bt) * sel_w                              # [B, k, D]
    # scatter (overwrite) processed tokens back into the residual copy of x
    batch_idx = jnp.arange(B)[:, None]
    out = x.at[batch_idx, topi].set(transformed)
    return out

if __name__ == "__main__":
    import jax
    _d = setup_inputs()
    print(jax.jit(kernel)(*tuple(_d.values())))

</pallas_src>

<mosaic_0001>
#map = affine_map<(d0, d1) -> (0)>
#map1 = affine_map<(d0, d1) -> (0, 0)>
module attributes {stable_mosaic.version = 14 : i64} {
  func.func @_gather_body(%arg0: i32, %arg1: i32, %arg2: memref<4096xi32, #tpu.memory_space<hbm>>, %arg3: memref<32768x768xf32, #tpu.memory_space<hbm>>, %arg4: memref<4096x768xf32, #tpu.memory_space<hbm>>, %arg5: memref<64xi32, #tpu.memory_space<vmem>>, %arg6: memref<64xi32, #tpu.memory_space<vmem>>, %arg7: memref<64x768xf32, #tpu.memory_space<vmem>>, %arg8: memref<64x768xf32, #tpu.memory_space<vmem>>, %arg9: memref<!tpu.dma_semaphore, #tpu.memory_space<semaphore_mem>>, %arg10: memref<!tpu.dma_semaphore, #tpu.memory_space<semaphore_mem>>) attributes {dimension_semantics = [#tpu.dimension_semantics<core_parallel>, #tpu.dimension_semantics<subcore_parallel>], iteration_bounds = array<i64: 2, 16>, scalar_prefetch = 0 : i64, scratch_operands = 6 : i64, tpu.core_type = #tpu.core_type<sc_vector_subcore>, window_params = [{transform_indices = #map}, {transform_indices = #map1}, {transform_indices = #map1}]} {
    %mul3A = arith.constant 2 : i32
    %mul3A_0 = arith.muli %arg1, %mul3A : i32
    %add3A = arith.addi %mul3A_0, %arg0 : i32
    %mul3A_1 = arith.constant 128 : i32
    %mul3A_2 = arith.muli %add3A, %mul3A_1 : i32
    "tpu.region"() ({
      %run_scoped3A = tpu.sem_alloc : memref<!tpu.dma_semaphore, #tpu.memory_space<semaphore_mem>>
      %dma_start3A_17 = tpu.memref_slice %arg2[%mul3A_2] : memref<4096xi32, #tpu.memory_space<hbm>> -> memref<64xi32, #tpu.memory_space<hbm>>
      %dma_start3A_18 = tpu.memref_slice %arg2[%mul3A_2] : memref<4096xi32, #tpu.memory_space<hbm>> -> memref<64xi32, #tpu.memory_space<hbm>>
      tpu.enqueue_dma source(%dma_start3A_18 : memref<64xi32, #tpu.memory_space<hbm>>) target(%arg5 : memref<64xi32, #tpu.memory_space<vmem>>) target_semaphore(%run_scoped3A : memref<!tpu.dma_semaphore, #tpu.memory_space<semaphore_mem>>)
      %dma_wait3A_19 = tpu.memref_slice %arg2[%mul3A_2] : memref<4096xi32, #tpu.memory_space<hbm>> -> memref<64xi32, #tpu.memory_space<hbm>>
      %dma_wait3A_20 = tpu.memref_slice %arg2[%mul3A_2] : memref<4096xi32, #tpu.memory_space<hbm>> -> memref<64xi32, #tpu.memory_space<hbm>>
      tpu.wait_dma2 semaphore(%run_scoped3A : memref<!tpu.dma_semaphore, #tpu.memory_space<semaphore_mem>>) src(%dma_wait3A_20 : memref<64xi32, #tpu.memory_space<hbm>>) dst(%arg5 : memref<64xi32, #tpu.memory_space<vmem>>)
      tpu.yield
    }) : () -> ()
    %add3A_3 = arith.constant 64 : i32
    %add3A_4 = arith.addi %mul3A_2, %add3A_3 : i32
    "tpu.region"() ({
      %run_scoped3A = tpu.sem_alloc : memref<!tpu.dma_semaphore, #tpu.memory_space<semaphore_mem>>
      %dma_start3A_17 = tpu.memref_slice %arg2[%add3A_4] : memref<4096xi32, #tpu.memory_space<hbm>> -> memref<64xi32, #tpu.memory_space<hbm>>
      %dma_start3A_18 = tpu.memref_slice %arg2[%add3A_4] : memref<4096xi32, #tpu.memory_space<hbm>> -> memref<64xi32, #tpu.memory_space<hbm>>
      tpu.enqueue_dma source(%dma_start3A_18 : memref<64xi32, #tpu.memory_space<hbm>>) target(%arg6 : memref<64xi32, #tpu.memory_space<vmem>>) target_semaphore(%run_scoped3A : memref<!tpu.dma_semaphore, #tpu.memory_space<semaphore_mem>>)
      %dma_wait3A_19 = tpu.memref_slice %arg2[%add3A_4] : memref<4096xi32, #tpu.memory_space<hbm>> -> memref<64xi32, #tpu.memory_space<hbm>>
      %dma_wait3A_20 = tpu.memref_slice %arg2[%add3A_4] : memref<4096xi32, #tpu.memory_space<hbm>> -> memref<64xi32, #tpu.memory_space<hbm>>
      tpu.wait_dma2 semaphore(%run_scoped3A : memref<!tpu.dma_semaphore, #tpu.memory_space<semaphore_mem>>) src(%dma_wait3A_20 : memref<64xi32, #tpu.memory_space<hbm>>) dst(%arg6 : memref<64xi32, #tpu.memory_space<vmem>>)
      tpu.yield
    }) : () -> ()
    %dma_start3A = arith.constant 0 : i32
    %dma_start3A_5 = arith.constant 0 : i32
    %dma_start3A_6 = tpu.memref_slice %arg3[%dma_start3A, %dma_start3A_5] : memref<32768x768xf32, #tpu.memory_space<hbm>> -> memref<32768x768xf32, #tpu.memory_space<hbm>>
    tpu.enqueue_indirect_dma source(%dma_start3A_6 : memref<32768x768xf32, #tpu.memory_space<hbm>>) target(%arg7 : memref<64x768xf32, #tpu.memory_space<vmem>>) offsets(%arg5 : memref<64xi32, #tpu.memory_space<vmem>>) semaphore(%arg9 : memref<!tpu.dma_semaphore, #tpu.memory_space<semaphore_mem>>)
    %dma_start3A_7 = arith.constant 0 : i32
    %dma_start3A_8 = arith.constant 0 : i32
    %dma_start3A_9 = tpu.memref_slice %arg3[%dma_start3A_7, %dma_start3A_8] : memref<32768x768xf32, #tpu.memory_space<hbm>> -> memref<32768x768xf32, #tpu.memory_space<hbm>>
    tpu.enqueue_indirect_dma source(%dma_start3A_9 : memref<32768x768xf32, #tpu.memory_space<hbm>>) target(%arg8 : memref<64x768xf32, #tpu.memory_space<vmem>>) offsets(%arg6 : memref<64xi32, #tpu.memory_space<vmem>>) semaphore(%arg10 : memref<!tpu.dma_semaphore, #tpu.memory_space<semaphore_mem>>)
    %dma_wait3A = arith.constant 0 : i32
    %dma_wait3A_10 = arith.constant 0 : i32
    %dma_wait3A_11 = tpu.memref_slice %arg3[%dma_wait3A, %dma_wait3A_10] : memref<32768x768xf32, #tpu.memory_space<hbm>> -> memref<32768x768xf32, #tpu.memory_space<hbm>>
    tpu.wait_indirect_dma semaphore(%arg9 : memref<!tpu.dma_semaphore, #tpu.memory_space<semaphore_mem>>) src(%dma_wait3A_11 : memref<32768x768xf32, #tpu.memory_space<hbm>>) dst(%arg7 : memref<64x768xf32, #tpu.memory_space<vmem>>)
    "tpu.region"() ({
      %run_scoped3A = tpu.sem_alloc : memref<!tpu.dma_semaphore, #tpu.memory_space<semaphore_mem>>
      %dma_start3A_17 = arith.constant 0 : i32
      %dma_start3A_18 = tpu.memref_slice %arg4[%mul3A_2, %dma_start3A_17] : memref<4096x768xf32, #tpu.memory_space<hbm>> -> memref<64x768xf32, #tpu.memory_space<hbm>>
      %dma_start3A_19 = arith.constant 0 : i32
      %dma_start3A_20 = tpu.memref_slice %arg4[%mul3A_2, %dma_start3A_19] : memref<4096x768xf32, #tpu.memory_space<hbm>> -> memref<64x768xf32, #tpu.memory_space<hbm>>
      tpu.enqueue_dma source(%arg7 : memref<64x768xf32, #tpu.memory_space<vmem>>) target(%dma_start3A_20 : memref<64x768xf32, #tpu.memory_space<hbm>>) target_semaphore(%run_scoped3A : memref<!tpu.dma_semaphore, #tpu.memory_space<semaphore_mem>>)
      %dma_wait3A_21 = arith.constant 0 : i32
      %dma_wait3A_22 = tpu.memref_slice %arg4[%mul3A_2, %dma_wait3A_21] : memref<4096x768xf32, #tpu.memory_space<hbm>> -> memref<64x768xf32, #tpu.memory_space<hbm>>
      %dma_wait3A_23 = arith.constant 0 : i32
      %dma_wait3A_24 = tpu.memref_slice %arg4[%mul3A_2, %dma_wait3A_23] : memref<4096x768xf32, #tpu.memory_space<hbm>> -> memref<64x768xf32, #tpu.memory_space<hbm>>
      tpu.wait_dma2 semaphore(%run_scoped3A : memref<!tpu.dma_semaphore, #tpu.memory_space<semaphore_mem>>) src(%arg7 : memref<64x768xf32, #tpu.memory_space<vmem>>) dst(%dma_wait3A_24 : memref<64x768xf32, #tpu.memory_space<hbm>>)
      tpu.yield
    }) : () -> ()
    %dma_wait3A_12 = arith.constant 0 : i32
    %dma_wait3A_13 = arith.constant 0 : i32
    %dma_wait3A_14 = tpu.memref_slice %arg3[%dma_wait3A_12, %dma_wait3A_13] : memref<32768x768xf32, #tpu.memory_space<hbm>> -> memref<32768x768xf32, #tpu.memory_space<hbm>>
    tpu.wait_indirect_dma semaphore(%arg10 : memref<!tpu.dma_semaphore, #tpu.memory_space<semaphore_mem>>) src(%dma_wait3A_14 : memref<32768x768xf32, #tpu.memory_space<hbm>>) dst(%arg8 : memref<64x768xf32, #tpu.memory_space<vmem>>)
    %add3A_15 = arith.constant 64 : i32
    %add3A_16 = arith.addi %mul3A_2, %add3A_15 : i32
    "tpu.region"() ({
      %run_scoped3A = tpu.sem_alloc : memref<!tpu.dma_semaphore, #tpu.memory_space<semaphore_mem>>
      %dma_start3A_17 = arith.constant 0 : i32
      %dma_start3A_18 = tpu.memref_slice %arg4[%add3A_16, %dma_start3A_17] : memref<4096x768xf32, #tpu.memory_space<hbm>> -> memref<64x768xf32, #tpu.memory_space<hbm>>
      %dma_start3A_19 = arith.constant 0 : i32
      %dma_start3A_20 = tpu.memref_slice %arg4[%add3A_16, %dma_start3A_19] : memref<4096x768xf32, #tpu.memory_space<hbm>> -> memref<64x768xf32, #tpu.memory_space<hbm>>
      tpu.enqueue_dma source(%arg8 : memref<64x768xf32, #tpu.memory_space<vmem>>) target(%dma_start3A_20 : memref<64x768xf32, #tpu.memory_space<hbm>>) target_semaphore(%run_scoped3A : memref<!tpu.dma_semaphore, #tpu.memory_space<semaphore_mem>>)
      %dma_wait3A_21 = arith.constant 0 : i32
      %dma_wait3A_22 = tpu.memref_slice %arg4[%add3A_16, %dma_wait3A_21] : memref<4096x768xf32, #tpu.memory_space<hbm>> -> memref<64x768xf32, #tpu.memory_space<hbm>>
      %dma_wait3A_23 = arith.constant 0 : i32
      %dma_wait3A_24 = tpu.memref_slice %arg4[%add3A_16, %dma_wait3A_23] : memref<4096x768xf32, #tpu.memory_space<hbm>> -> memref<64x768xf32, #tpu.memory_space<hbm>>
      tpu.wait_dma2 semaphore(%run_scoped3A : memref<!tpu.dma_semaphore, #tpu.memory_space<semaphore_mem>>) src(%arg8 : memref<64x768xf32, #tpu.memory_space<vmem>>) dst(%dma_wait3A_24 : memref<64x768xf32, #tpu.memory_space<hbm>>)
      tpu.yield
    }) : () -> ()
    return
  }
}

#map = affine_map<(d0, d1) -> (0, 0)>
#map1 = affine_map<(d0, d1) -> (0)>
module attributes {stable_mosaic.version = 14 : i64} {
  func.func @_compact_body(%arg0: i32, %arg1: i32, %arg2: memref<4x8192xf32, #tpu.memory_space<hbm>>, %arg3: memref<4x8192xf32, #tpu.memory_space<hbm>>, %arg4: memref<4096xi32, #tpu.memory_space<hbm>>, %arg5: memref<4096xf32, #tpu.memory_space<hbm>>, %arg6: memref<8192xf32, #tpu.memory_space<vmem>>, %arg7: memref<8192xf32, #tpu.memory_space<vmem>>, %arg8: memref<1040xi32, #tpu.memory_space<vmem>>, %arg9: memref<1040xf32, #tpu.memory_space<vmem>>) attributes {dimension_semantics = [#tpu.dimension_semantics<core_parallel>, #tpu.dimension_semantics<subcore_parallel>], iteration_bounds = array<i64: 2, 16>, scalar_prefetch = 0 : i64, scratch_operands = 4 : i64, tpu.core_type = #tpu.core_type<sc_vector_subcore>, window_params = [{transform_indices = #map}, {transform_indices = #map}, {transform_indices = #map1}, {transform_indices = #map1}]} {
    %mul3A = arith.constant 2 : i32
    %mul3A_0 = arith.muli %arg1, %mul3A : i32
    %add3A = arith.addi %mul3A_0, %arg0 : i32
    %lt3A = arith.constant 4 : i32
    %lt3A_1 = arith.cmpi slt, %add3A, %lt3A : i32
    %convert_element_type3A = arith.extui %lt3A_1 : i1 to i32
    %cond3A = arith.constant 0 : i32
    %cond3A_2 = arith.cmpi ne, %convert_element_type3A, %cond3A : i32
    scf.if %cond3A_2 {
      "tpu.region"() ({
        %run_scoped3A = tpu.sem_alloc : memref<!tpu.dma_semaphore, #tpu.memory_space<semaphore_mem>>
        %dma_start3A = arith.constant 0 : i32
        %dma_start3A_17 = tpu.memref_slice %arg2[%add3A, %dma_start3A] : memref<4x8192xf32, #tpu.memory_space<hbm>> -> memref<1x8192xf32, #tpu.memory_space<hbm>>
        %dma_start3A_18 = tpu.memref_squeeze %dma_start3A_17 : memref<1x8192xf32, #tpu.memory_space<hbm>> -> memref<8192xf32, #tpu.memory_space<hbm>>
        %dma_start3A_19 = arith.constant 0 : i32
        %dma_start3A_20 = tpu.memref_slice %arg2[%add3A, %dma_start3A_19] : memref<4x8192xf32, #tpu.memory_space<hbm>> -> memref<1x8192xf32, #tpu.memory_space<hbm>>
        %dma_start3A_21 = tpu.memref_squeeze %dma_start3A_20 : memref<1x8192xf32, #tpu.memory_space<hbm>> -> memref<8192xf32, #tpu.memory_space<hbm>>
        tpu.enqueue_dma source(%dma_start3A_21 : memref<8192xf32, #tpu.memory_space<hbm>>) target(%arg6 : memref<8192xf32, #tpu.memory_space<vmem>>) target_semaphore(%run_scoped3A : memref<!tpu.dma_semaphore, #tpu.memory_space<semaphore_mem>>)
        %dma_wait3A = arith.constant 0 : i32
        %dma_wait3A_22 = tpu.memref_slice %arg2[%add3A, %dma_wait3A] : memref<4x8192xf32, #tpu.memory_space<hbm>> -> memref<1x8192xf32, #tpu.memory_space<hbm>>
        %dma_wait3A_23 = tpu.memref_squeeze %dma_wait3A_22 : memref<1x8192xf32, #tpu.memory_space<hbm>> -> memref<8192xf32, #tpu.memory_space<hbm>>
        %dma_wait3A_24 = arith.constant 0 : i32
        %dma_wait3A_25 = tpu.memref_slice %arg2[%add3A, %dma_wait3A_24] : memref<4x8192xf32, #tpu.memory_space<hbm>> -> memref<1x8192xf32, #tpu.memory_space<hbm>>
        %dma_wait3A_26 = tpu.memref_squeeze %dma_wait3A_25 : memref<1x8192xf32, #tpu.memory_space<hbm>> -> memref<8192xf32, #tpu.memory_space<hbm>>
        tpu.wait_dma2 semaphore(%run_scoped3A : memref<!tpu.dma_semaphore, #tpu.memory_space<semaphore_mem>>) src(%dma_wait3A_26 : memref<8192xf32, #tpu.memory_space<hbm>>) dst(%arg6 : memref<8192xf32, #tpu.memory_space<vmem>>)
        tpu.yield
      }) : () -> ()
      "tpu.region"() ({
        %run_scoped3A = tpu.sem_alloc : memref<!tpu.dma_semaphore, #tpu.memory_space<semaphore_mem>>
        %dma_start3A = arith.constant 0 : i32
        %dma_start3A_17 = tpu.memref_slice %arg3[%add3A, %dma_start3A] : memref<4x8192xf32, #tpu.memory_space<hbm>> -> memref<1x8192xf32, #tpu.memory_space<hbm>>
        %dma_start3A_18 = tpu.memref_squeeze %dma_start3A_17 : memref<1x8192xf32, #tpu.memory_space<hbm>> -> memref<8192xf32, #tpu.memory_space<hbm>>
        %dma_start3A_19 = arith.constant 0 : i32
        %dma_start3A_20 = tpu.memref_slice %arg3[%add3A, %dma_start3A_19] : memref<4x8192xf32, #tpu.memory_space<hbm>> -> memref<1x8192xf32, #tpu.memory_space<hbm>>
        %dma_start3A_21 = tpu.memref_squeeze %dma_start3A_20 : memref<1x8192xf32, #tpu.memory_space<hbm>> -> memref<8192xf32, #tpu.memory_space<hbm>>
        tpu.enqueue_dma source(%dma_start3A_21 : memref<8192xf32, #tpu.memory_space<hbm>>) target(%arg7 : memref<8192xf32, #tpu.memory_space<vmem>>) target_semaphore(%run_scoped3A : memref<!tpu.dma_semaphore, #tpu.memory_space<semaphore_mem>>)
        %dma_wait3A = arith.constant 0 : i32
        %dma_wait3A_22 = tpu.memref_slice %arg3[%add3A, %dma_wait3A] : memref<4x8192xf32, #tpu.memory_space<hbm>> -> memref<1x8192xf32, #tpu.memory_space<hbm>>
        %dma_wait3A_23 = tpu.memref_squeeze %dma_wait3A_22 : memref<1x8192xf32, #tpu.memory_space<hbm>> -> memref<8192xf32, #tpu.memory_space<hbm>>
        %dma_wait3A_24 = arith.constant 0 : i32
        %dma_wait3A_25 = tpu.memref_slice %arg3[%add3A, %dma_wait3A_24] : memref<4x8192xf32, #tpu.memory_space<hbm>> -> memref<1x8192xf32, #tpu.memory_space<hbm>>
        %dma_wait3A_26 = tpu.memref_squeeze %dma_wait3A_25 : memref<1x8192xf32, #tpu.memory_space<hbm>> -> memref<8192xf32, #tpu.memory_space<hbm>>
        tpu.wait_dma2 semaphore(%run_scoped3A : memref<!tpu.dma_semaphore, #tpu.memory_space<semaphore_mem>>) src(%dma_wait3A_26 : memref<8192xf32, #tpu.memory_space<hbm>>) dst(%arg7 : memref<8192xf32, #tpu.memory_space<vmem>>)
        tpu.yield
      }) : () -> ()
      %iota3A = tpu.iota {dimensions = array<i32: 0>} : vector<16xi32>
      %mul3A_3 = arith.constant 0 : i32
      %mul3A_4 = vector.broadcast %mul3A_3 : i32 to vector<16xi32>
      %mul3A_5 = arith.muli %iota3A, %mul3A_4 : vector<16xi32>
      %mul3A_6 = arith.constant 0 : i32
      %mul3A_7 = arith.muli %add3A, %mul3A_6 : i32
      %scan3A = arith.constant 0 : i32
      %scan3A_8 = arith.constant 512 : i32
      %scan3A_9 = arith.addi %scan3A, %scan3A_8 : i32
      %scan3A_10 = arith.constant 1 : i32
      %scan3A_11 = scf.for %scan3A_17 = %scan3A to %scan3A_9 step %scan3A_10 iter_args(%scan3A_18 = %mul3A_7) -> (i32)  : i32 {
        %mul3A_19 = arith.constant 16 : i32
        %mul3A_20 = arith.muli %scan3A_17, %mul3A_19 : i32
        %get3A = arith.index_cast %mul3A_20 : i32 to index
        %get3A_21 = tpu.vector_load %arg6[%get3A] {strides = array<i32>} : memref<8192xf32, #tpu.memory_space<vmem>>, vector<16xf32>,
        %get3A_22 = vector.shape_cast %get3A_21 : vector<16xf32> to vector<16xf32>
        %ne3A = arith.constant 0.000000e+00 : f32
        %ne3A_23 = vector.broadcast %ne3A : f32 to vector<16xf32>
        %ne3A_24 = arith.cmpf one, %get3A_22, %ne3A_23 : vector<16xf32>
        %mul3A_25 = arith.constant 16 : i32
        %mul3A_26 = arith.muli %scan3A_17, %mul3A_25 : i32
        %get3A_27 = arith.index_cast %mul3A_26 : i32 to index
        %get3A_28 = tpu.vector_load %arg7[%get3A_27] {strides = array<i32>} : memref<8192xf32, #tpu.memory_space<vmem>>, vector<16xf32>,
        %get3A_29 = vector.shape_cast %get3A_28 : vector<16xf32> to vector<16xf32>
        %mul3A_30 = arith.constant 8192 : i32
        %mul3A_31 = arith.muli %add3A, %mul3A_30 : i32
        %mul3A_32 = arith.constant 16 : i32
        %mul3A_33 = arith.muli %scan3A_17, %mul3A_32 : i32
        %add3A_34 = arith.addi %mul3A_31, %mul3A_33 : i32
        %add3A_35 = vector.broadcast %add3A_34 : i32 to vector<16xi32>
        %add3A_36 = arith.addi %add3A_35, %iota3A : vector<16xi32>
        %add3A_37 = arith.constant 1 : i32
        %add3A_38 = vector.broadcast %add3A_37 : i32 to vector<16xi32>
        %add3A_39 = arith.addi %mul3A_5, %add3A_38 : vector<16xi32>
        %select_n3A = arith.select %ne3A_24, %add3A_39, %mul3A_5 : vector<16xi1>, vector<16xi32>
        %ge3A = arith.constant 1 : i32
        %ge3A_40 = vector.broadcast %ge3A : i32 to vector<16xi32>
        %ge3A_41 = arith.cmpi sge, %iota3A, %ge3A_40 : vector<16xi32>
        %sub3A = arith.constant 1 : i32
        %sub3A_42 = vector.broadcast %sub3A : i32 to vector<16xi32>
        %sub3A_43 = arith.subi %iota3A, %sub3A_42 : vector<16xi32>
        %select_n3A_44 = arith.select %ge3A_41, %sub3A_43, %mul3A_5 : vector<16xi1>, vector<16xi32>
        %lt3A_45 = arith.constant 0 : i32
        %lt3A_46 = vector.broadcast %lt3A_45 : i32 to vector<16xi32>
        %lt3A_47 = arith.cmpi slt, %select_n3A_44, %lt3A_46 : vector<16xi32>
        %add3A_48 = arith.constant 16 : i32
        %add3A_49 = vector.broadcast %add3A_48 : i32 to vector<16xi32>
        %add3A_50 = arith.addi %select_n3A_44, %add3A_49 : vector<16xi32>
        %select_n3A_51 = arith.select %lt3A_47, %add3A_50, %select_n3A_44 : vector<16xi1>, vector<16xi32>
        %broadcast_in_dim3A = vector.shape_cast %select_n3A_51 : vector<16xi32> to vector<16x1xi32>
        %gather3A = vector.shape_cast %broadcast_in_dim3A : vector<16x1xi32> to vector<16xi32>
        %gather3A_52 = tpu.dynamic_gather %select_n3A[%gather3A] in [0] : vector<16xi32>, vector<16xi32> -> vector<16xi32>
        %ge3A_53 = arith.constant 1 : i32
        %ge3A_54 = vector.broadcast %ge3A_53 : i32 to vector<16xi32>
        %ge3A_55 = arith.cmpi sge, %iota3A, %ge3A_54 : vector<16xi32>
        %select_n3A_56 = arith.select %ge3A_55, %gather3A_52, %mul3A_5 : vector<16xi1>, vector<16xi32>
        %add3A_57 = arith.addi %select_n3A, %select_n3A_56 : vector<16xi32>
        %ge3A_58 = arith.constant 2 : i32
        %ge3A_59 = vector.broadcast %ge3A_58 : i32 to vector<16xi32>
        %ge3A_60 = arith.cmpi sge, %iota3A, %ge3A_59 : vector<16xi32>
        %sub3A_61 = arith.constant 2 : i32
        %sub3A_62 = vector.broadcast %sub3A_61 : i32 to vector<16xi32>
        %sub3A_63 = arith.subi %iota3A, %sub3A_62 : vector<16xi32>
        %select_n3A_64 = arith.select %ge3A_60, %sub3A_63, %mul3A_5 : vector<16xi1>, vector<16xi32>
        %lt3A_65 = arith.constant 0 : i32
        %lt3A_66 = vector.broadcast %lt3A_65 : i32 to vector<16xi32>
        %lt3A_67 = arith.cmpi slt, %select_n3A_64, %lt3A_66 : vector<16xi32>
        %add3A_68 = arith.constant 16 : i32
        %add3A_69 = vector.broadcast %add3A_68 : i32 to vector<16xi32>
        %add3A_70 = arith.addi %select_n3A_64, %add3A_69 : vector<16xi32>
        %select_n3A_71 = arith.select %lt3A_67, %add3A_70, %select_n3A_64 : vector<16xi1>, vector<16xi32>
        %broadcast_in_dim3A_72 = vector.shape_cast %select_n3A_71 : vector<16xi32> to vector<16x1xi32>
        %gather3A_73 = vector.shape_cast %broadcast_in_dim3A_72 : vector<16x1xi32> to vector<16xi32>
        %gather3A_74 = tpu.dynamic_gather %add3A_57[%gather3A_73] in [0] : vector<16xi32>, vector<16xi32> -> vector<16xi32>
        %ge3A_75 = arith.constant 2 : i32
        %ge3A_76 = vector.broadcast %ge3A_75 : i32 to vector<16xi32>
        %ge3A_77 = arith.cmpi sge, %iota3A, %ge3A_76 : vector<16xi32>
        %select_n3A_78 = arith.select %ge3A_77, %gather3A_74, %mul3A_5 : vector<16xi1>, vector<16xi32>
        %add3A_79 = arith.addi %add3A_57, %select_n3A_78 : vector<16xi32>
        %ge3A_80 = arith.constant 4 : i32
        %ge3A_81 = vector.broadcast %ge3A_80 : i32 to vector<16xi32>
        %ge3A_82 = arith.cmpi sge, %iota3A, %ge3A_81 : vector<16xi32>
        %sub3A_83 = arith.constant 4 : i32
        %sub3A_84 = vector.broadcast %sub3A_83 : i32 to vector<16xi32>
        %sub3A_85 = arith.subi %iota3A, %sub3A_84 : vector<16xi32>
        %select_n3A_86 = arith.select %ge3A_82, %sub3A_85, %mul3A_5 : vector<16xi1>, vector<16xi32>
        %lt3A_87 = arith.constant 0 : i32
        %lt3A_88 = vector.broadcast %lt3A_87 : i32 to vector<16xi32>
        %lt3A_89 = arith.cmpi slt, %select_n3A_86, %lt3A_88 : vector<16xi32>
        %add3A_90 = arith.constant 16 : i32
        %add3A_91 = vector.broadcast %add3A_90 : i32 to vector<16xi32>
        %add3A_92 = arith.addi %select_n3A_86, %add3A_91 : vector<16xi32>
        %select_n3A_93 = arith.select %lt3A_89, %add3A_92, %select_n3A_86 : vector<16xi1>, vector<16xi32>
        %broadcast_in_dim3A_94 = vector.shape_cast %select_n3A_93 : vector<16xi32> to vector<16x1xi32>
        %gather3A_95 = vector.shape_cast %broadcast_in_dim3A_94 : vector<16x1xi32> to vector<16xi32>
        %gather3A_96 = tpu.dynamic_gather %add3A_79[%gather3A_95] in [0] : vector<16xi32>, vector<16xi32> -> vector<16xi32>
        %ge3A_97 = arith.constant 4 : i32
        %ge3A_98 = vector.broadcast %ge3A_97 : i32 to vector<16xi32>
        %ge3A_99 = arith.cmpi sge, %iota3A, %ge3A_98 : vector<16xi32>
        %select_n3A_100 = arith.select %ge3A_99, %gather3A_96, %mul3A_5 : vector<16xi1>, vector<16xi32>
        %add3A_101 = arith.addi %add3A_79, %select_n3A_100 : vector<16xi32>
        %ge3A_102 = arith.constant 8 : i32
        %ge3A_103 = vector.broadcast %ge3A_102 : i32 to vector<16xi32>
        %ge3A_104 = arith.cmpi sge, %iota3A, %ge3A_103 : vector<16xi32>
        %sub3A_105 = arith.constant 8 : i32
        %sub3A_106 = vector.broadcast %sub3A_105 : i32 to vector<16xi32>
        %sub3A_107 = arith.subi %iota3A, %sub3A_106 : vector<16xi32>
        %select_n3A_108 = arith.select %ge3A_104, %sub3A_107, %mul3A_5 : vector<16xi1>, vector<16xi32>
        %lt3A_109 = arith.constant 0 : i32
        %lt3A_110 = vector.broadcast %lt3A_109 : i32 to vector<16xi32>
        %lt3A_111 = arith.cmpi slt, %select_n3A_108, %lt3A_110 : vector<16xi32>
        %add3A_112 = arith.constant 16 : i32
        %add3A_113 = vector.broadcast %add3A_112 : i32 to vector<16xi32>
        %add3A_114 = arith.addi %select_n3A_108, %add3A_113 : vector<16xi32>
        %select_n3A_115 = arith.select %lt3A_111, %add3A_114, %select_n3A_108 : vector<16xi1>, vector<16xi32>
        %broadcast_in_dim3A_116 = vector.shape_cast %select_n3A_115 : vector<16xi32> to vector<16x1xi32>
        %gather3A_117 = vector.shape_cast %broadcast_in_dim3A_116 : vector<16x1xi32> to vector<16xi32>
        %gather3A_118 = tpu.dynamic_gather %add3A_101[%gather3A_117] in [0] : vector<16xi32>, vector<16xi32> -> vector<16xi32>
        %ge3A_119 = arith.constant 8 : i32
        %ge3A_120 = vector.broadcast %ge3A_119 : i32 to vector<16xi32>
        %ge3A_121 = arith.cmpi sge, %iota3A, %ge3A_120 : vector<16xi32>
        %select_n3A_122 = arith.select %ge3A_121, %gather3A_118, %mul3A_5 : vector<16xi1>, vector<16xi32>
        %add3A_123 = arith.addi %add3A_101, %select_n3A_122 : vector<16xi32>
        %add3A_124 = arith.constant 1 : i32
        %add3A_125 = vector.broadcast %add3A_124 : i32 to vector<16xi32>
        %add3A_126 = arith.addi %iota3A, %add3A_125 : vector<16xi32>
        %add3A_127 = arith.constant 8 : i32
        %add3A_128 = vector.broadcast %add3A_127 : i32 to vector<16xi32>
        %add3A_129 = arith.addi %mul3A_5, %add3A_128 : vector<16xi32>
        %sub3A_130 = arith.constant 1 : i32
        %sub3A_131 = vector.broadcast %sub3A_130 : i32 to vector<16xi32>
        %sub3A_132 = arith.subi %add3A_129, %sub3A_131 : vector<16xi32>
        %lt3A_133 = arith.constant 0 : i32
        %lt3A_134 = vector.broadcast %lt3A_133 : i32 to vector<16xi32>
        %lt3A_135 = arith.cmpi slt, %sub3A_132, %lt3A_134 : vector<16xi32>
        %add3A_136 = arith.constant 16 : i32
        %add3A_137 = vector.broadcast %add3A_136 : i32 to vector<16xi32>
        %add3A_138 = arith.addi %sub3A_132, %add3A_137 : vector<16xi32>
        %select_n3A_139 = arith.select %lt3A_135, %add3A_138, %sub3A_132 : vector<16xi1>, vector<16xi32>
        %broadcast_in_dim3A_140 = vector.shape_cast %select_n3A_139 : vector<16xi32> to vector<16x1xi32>
        %gather3A_141 = vector.shape_cast %broadcast_in_dim3A_140 : vector<16x1xi32> to vector<16xi32>
        %gather3A_142 = tpu.dynamic_gather %add3A_123[%gather3A_141] in [0] : vector<16xi32>, vector<16xi32> -> vector<16xi32>
        %lt3A_143 = arith.cmpi slt, %gather3A_142, %add3A_126 : vector<16xi32>
        %select_n3A_144 = arith.select %lt3A_143, %add3A_129, %mul3A_5 : vector<16xi1>, vector<16xi32>
        %add3A_145 = arith.constant 4 : i32
        %add3A_146 = vector.broadcast %add3A_145 : i32 to vector<16xi32>
        %add3A_147 = arith.addi %select_n3A_144, %add3A_146 : vector<16xi32>
        %sub3A_148 = arith.constant 1 : i32
        %sub3A_149 = vector.broadcast %sub3A_148 : i32 to vector<16xi32>
        %sub3A_150 = arith.subi %add3A_147, %sub3A_149 : vector<16xi32>
        %lt3A_151 = arith.constant 0 : i32
        %lt3A_152 = vector.broadcast %lt3A_151 : i32 to vector<16xi32>
        %lt3A_153 = arith.cmpi slt, %sub3A_150, %lt3A_152 : vector<16xi32>
        %add3A_154 = arith.constant 16 : i32
        %add3A_155 = vector.broadcast %add3A_154 : i32 to vector<16xi32>
        %add3A_156 = arith.addi %sub3A_150, %add3A_155 : vector<16xi32>
        %select_n3A_157 = arith.select %lt3A_153, %add3A_156, %sub3A_150 : vector<16xi1>, vector<16xi32>
        %broadcast_in_dim3A_158 = vector.shape_cast %select_n3A_157 : vector<16xi32> to vector<16x1xi32>
        %gather3A_159 = vector.shape_cast %broadcast_in_dim3A_158 : vector<16x1xi32> to vector<16xi32>
        %gather3A_160 = tpu.dynamic_gather %add3A_123[%gather3A_159] in [0] : vector<16xi32>, vector<16xi32> -> vector<16xi32>
        %lt3A_161 = arith.cmpi slt, %gather3A_160, %add3A_126 : vector<16xi32>
        %select_n3A_162 = arith.select %lt3A_161, %add3A_147, %select_n3A_144 : vector<16xi1>, vector<16xi32>
        %add3A_163 = arith.constant 2 : i32
        %add3A_164 = vector.broadcast %add3A_163 : i32 to vector<16xi32>
        %add3A_165 = arith.addi %select_n3A_162, %add3A_164 : vector<16xi32>
        %sub3A_166 = arith.constant 1 : i32
        %sub3A_167 = vector.broadcast %sub3A_166 : i32 to vector<16xi32>
        %sub3A_168 = arith.subi %add3A_165, %sub3A_167 : vector<16xi32>
        %lt3A_169 = arith.constant 0 : i32
        %lt3A_170 = vector.broadcast %lt3A_169 : i32 to vector<16xi32>
        %lt3A_171 = arith.cmpi slt, %sub3A_168, %lt3A_170 : vector<16xi32>
        %add3A_172 = arith.constant 16 : i32
        %add3A_173 = vector.broadcast %add3A_172 : i32 to vector<16xi32>
        %add3A_174 = arith.addi %sub3A_168, %add3A_173 : vector<16xi32>
        %select_n3A_175 = arith.select %lt3A_171, %add3A_174, %sub3A_168 : vector<16xi1>, vector<16xi32>
        %broadcast_in_dim3A_176 = vector.shape_cast %select_n3A_175 : vector<16xi32> to vector<16x1xi32>
        %gather3A_177 = vector.shape_cast %broadcast_in_dim3A_176 : vector<16x1xi32> to vector<16xi32>
        %gather3A_178 = tpu.dynamic_gather %add3A_123[%gather3A_177] in [0] : vector<16xi32>, vector<16xi32> -> vector<16xi32>
        %lt3A_179 = arith.cmpi slt, %gather3A_178, %add3A_126 : vector<16xi32>
        %select_n3A_180 = arith.select %lt3A_179, %add3A_165, %select_n3A_162 : vector<16xi1>, vector<16xi32>
        %add3A_181 = arith.constant 1 : i32
        %add3A_182 = vector.broadcast %add3A_181 : i32 to vector<16xi32>
        %add3A_183 = arith.addi %select_n3A_180, %add3A_182 : vector<16xi32>
        %sub3A_184 = arith.constant 1 : i32
        %sub3A_185 = vector.broadcast %sub3A_184 : i32 to vector<16xi32>
        %sub3A_186 = arith.subi %add3A_183, %sub3A_185 : vector<16xi32>
        %lt3A_187 = arith.constant 0 : i32
        %lt3A_188 = vector.broadcast %lt3A_187 : i32 to vector<16xi32>
        %lt3A_189 = arith.cmpi slt, %sub3A_186, %lt3A_188 : vector<16xi32>
        %add3A_190 = arith.constant 16 : i32
        %add3A_191 = vector.broadcast %add3A_190 : i32 to vector<16xi32>
        %add3A_192 = arith.addi %sub3A_186, %add3A_191 : vector<16xi32>
        %select_n3A_193 = arith.select %lt3A_189, %add3A_192, %sub3A_186 : vector<16xi1>, vector<16xi32>
        %broadcast_in_dim3A_194 = vector.shape_cast %select_n3A_193 : vector<16xi32> to vector<16x1xi32>
        %gather3A_195 = vector.shape_cast %broadcast_in_dim3A_194 : vector<16x1xi32> to vector<16xi32>
        %gather3A_196 = tpu.dynamic_gather %add3A_123[%gather3A_195] in [0] : vector<16xi32>, vector<16xi32> -> vector<16xi32>
        %lt3A_197 = arith.cmpi slt, %gather3A_196, %add3A_126 : vector<16xi32>
        %select_n3A_198 = arith.select %lt3A_197, %add3A_183, %select_n3A_180 : vector<16xi1>, vector<16xi32>
        %gt3A = arith.constant 15 : i32
        %gt3A_199 = vector.broadcast %gt3A : i32 to vector<16xi32>
        %gt3A_200 = arith.cmpi sgt, %select_n3A_198, %gt3A_199 : vector<16xi32>
        %add3A_201 = arith.constant 15 : i32
        %add3A_202 = vector.broadcast %add3A_201 : i32 to vector<16xi32>
        %add3A_203 = arith.addi %mul3A_5, %add3A_202 : vector<16xi32>
        %select_n3A_204 = arith.select %gt3A_200, %add3A_203, %select_n3A_198 : vector<16xi1>, vector<16xi32>
        %lt3A_205 = arith.constant 0 : i32
        %lt3A_206 = vector.broadcast %lt3A_205 : i32 to vector<16xi32>
        %lt3A_207 = arith.cmpi slt, %select_n3A_204, %lt3A_206 : vector<16xi32>
        %add3A_208 = arith.constant 16 : i32
        %add3A_209 = vector.broadcast %add3A_208 : i32 to vector<16xi32>
        %add3A_210 = arith.addi %select_n3A_204, %add3A_209 : vector<16xi32>
        %select_n3A_211 = arith.select %lt3A_207, %add3A_210, %select_n3A_204 : vector<16xi1>, vector<16xi32>
        %broadcast_in_dim3A_212 = vector.shape_cast %select_n3A_211 : vector<16xi32> to vector<16x1xi32>
        %gather3A_213 = vector.shape_cast %broadcast_in_dim3A_212 : vector<16x1xi32> to vector<16xi32>
        %gather3A_214 = tpu.dynamic_gather %add3A_36[%gather3A_213] in [0] : vector<16xi32>, vector<16xi32> -> vector<16xi32>
        %swap3A = arith.index_cast %scan3A_18 : i32 to index
        %swap3A_215 = tpu.vector_load %arg8[%swap3A] {strides = array<i32>} : memref<1040xi32, #tpu.memory_space<vmem>>, vector<16xi32>,
        %swap3A_216 = vector.shape_cast %swap3A_215 : vector<16xi32> to vector<16xi32>
        %swap3A_217 = vector.shape_cast %gather3A_214 : vector<16xi32> to vector<16xi32>
        tpu.vector_store %arg8[%swap3A], %swap3A_217 {strides = array<i32>} : memref<1040xi32, #tpu.memory_space<vmem>>, vector<16xi32>,
        %lt3A_218 = arith.constant 0 : i32
        %lt3A_219 = vector.broadcast %lt3A_218 : i32 to vector<16xi32>
        %lt3A_220 = arith.cmpi slt, %select_n3A_204, %lt3A_219 : vector<16xi32>
        %add3A_221 = arith.constant 16 : i32
        %add3A_222 = vector.broadcast %add3A_221 : i32 to vector<16xi32>
        %add3A_223 = arith.addi %select_n3A_204, %add3A_222 : vector<16xi32>
        %select_n3A_224 = arith.select %lt3A_220, %add3A_223, %select_n3A_204 : vector<16xi1>, vector<16xi32>
        %broadcast_in_dim3A_225 = vector.shape_cast %select_n3A_224 : vector<16xi32> to vector<16x1xi32>
        %gather3A_226 = vector.shape_cast %broadcast_in_dim3A_225 : vector<16x1xi32> to vector<16xi32>
        %gather3A_227 = tpu.dynamic_gather %get3A_29[%gather3A_226] in [0] : vector<16xf32>, vector<16xi32> -> vector<16xf32>
        %swap3A_228 = arith.index_cast %scan3A_18 : i32 to index
        %swap3A_229 = tpu.vector_load %arg9[%swap3A_228] {strides = array<i32>} : memref<1040xf32, #tpu.memory_space<vmem>>, vector<16xf32>,
        %swap3A_230 = vector.shape_cast %swap3A_229 : vector<16xf32> to vector<16xf32>
        %swap3A_231 = vector.shape_cast %gather3A_227 : vector<16xf32> to vector<16xf32>
        tpu.vector_store %arg9[%swap3A_228], %swap3A_231 {strides = array<i32>} : memref<1040xf32, #tpu.memory_space<vmem>>, vector<16xf32>,
        %slice3A = vector.extract_strided_slice %add3A_123 {offsets = [15], sizes = [1], strides = [1]} : vector<16xi32> to vector<1xi32>
        %squeeze3A = vector.extract %slice3A[0] : i32 from vector<1xi32>
        %add3A_232 = arith.addi %scan3A_18, %squeeze3A : i32
        scf.yield %add3A_232 : i32
      }
      %scan3A_12 = arith.constant 512 : i32
      %mul3A_13 = arith.constant 1024 : i32
      %mul3A_14 = arith.muli %add3A, %mul3A_13 : i32
      "tpu.region"() ({
        %run_scoped3A = tpu.sem_alloc : memref<!tpu.dma_semaphore, #tpu.memory_space<semaphore_mem>>
        %dma_start3A = arith.constant 0 : i32
        %dma_start3A_17 = tpu.memref_slice %arg8[%dma_start3A] : memref<1040xi32, #tpu.memory_space<vmem>> -> memref<1024xi32, #tpu.memory_space<vmem>>
        %dma_start3A_18 = tpu.memref_slice %arg4[%mul3A_14] : memref<4096xi32, #tpu.memory_space<hbm>> -> memref<1024xi32, #tpu.memory_space<hbm>>
        %dma_start3A_19 = tpu.memref_slice %arg4[%mul3A_14] : memref<4096xi32, #tpu.memory_space<hbm>> -> memref<1024xi32, #tpu.memory_space<hbm>>
        %dma_start3A_20 = arith.constant 0 : i32
        %dma_start3A_21 = tpu.memref_slice %arg8[%dma_start3A_20] : memref<1040xi32, #tpu.memory_space<vmem>> -> memref<1024xi32, #tpu.memory_space<vmem>>
        tpu.enqueue_dma source(%dma_start3A_21 : memref<1024xi32, #tpu.memory_space<vmem>>) target(%dma_start3A_19 : memref<1024xi32, #tpu.memory_space<hbm>>) target_semaphore(%run_scoped3A : memref<!tpu.dma_semaphore, #tpu.memory_space<semaphore_mem>>)
        %dma_wait3A = arith.constant 0 : i32
        %dma_wait3A_22 = tpu.memref_slice %arg8[%dma_wait3A] : memref<1040xi32, #tpu.memory_space<vmem>> -> memref<1024xi32, #tpu.memory_space<vmem>>
        %dma_wait3A_23 = tpu.memref_slice %arg4[%mul3A_14] : memref<4096xi32, #tpu.memory_space<hbm>> -> memref<1024xi32, #tpu.memory_space<hbm>>
        %dma_wait3A_24 = tpu.memref_slice %arg4[%mul3A_14] : memref<4096xi32, #tpu.memory_space<hbm>> -> memref<1024xi32, #tpu.memory_space<hbm>>
        %dma_wait3A_25 = arith.constant 0 : i32
        %dma_wait3A_26 = tpu.memref_slice %arg8[%dma_wait3A_25] : memref<1040xi32, #tpu.memory_space<vmem>> -> memref<1024xi32, #tpu.memory_space<vmem>>
        tpu.wait_dma2 semaphore(%run_scoped3A : memref<!tpu.dma_semaphore, #tpu.memory_space<semaphore_mem>>) src(%dma_wait3A_26 : memref<1024xi32, #tpu.memory_space<vmem>>) dst(%dma_wait3A_24 : memref<1024xi32, #tpu.memory_space<hbm>>)
        tpu.yield
      }) : () -> ()
      %mul3A_15 = arith.constant 1024 : i32
      %mul3A_16 = arith.muli %add3A, %mul3A_15 : i32
      "tpu.region"() ({
        %run_scoped3A = tpu.sem_alloc : memref<!tpu.dma_semaphore, #tpu.memory_space<semaphore_mem>>
        %dma_start3A = arith.constant 0 : i32
        %dma_start3A_17 = tpu.memref_slice %arg9[%dma_start3A] : memref<1040xf32, #tpu.memory_space<vmem>> -> memref<1024xf32, #tpu.memory_space<vmem>>
        %dma_start3A_18 = tpu.memref_slice %arg5[%mul3A_16] : memref<4096xf32, #tpu.memory_space<hbm>> -> memref<1024xf32, #tpu.memory_space<hbm>>
        %dma_start3A_19 = tpu.memref_slice %arg5[%mul3A_16] : memref<4096xf32, #tpu.memory_space<hbm>> -> memref<1024xf32, #tpu.memory_space<hbm>>
        %dma_start3A_20 = arith.constant 0 : i32
        %dma_start3A_21 = tpu.memref_slice %arg9[%dma_start3A_20] : memref<1040xf32, #tpu.memory_space<vmem>> -> memref<1024xf32, #tpu.memory_space<vmem>>
        tpu.enqueue_dma source(%dma_start3A_21 : memref<1024xf32, #tpu.memory_space<vmem>>) target(%dma_start3A_19 : memref<1024xf32, #tpu.memory_space<hbm>>) target_semaphore(%run_scoped3A : memref<!tpu.dma_semaphore, #tpu.memory_space<semaphore_mem>>)
        %dma_wait3A = arith.constant 0 : i32
        %dma_wait3A_22 = tpu.memref_slice %arg9[%dma_wait3A] : memref<1040xf32, #tpu.memory_space<vmem>> -> memref<1024xf32, #tpu.memory_space<vmem>>
        %dma_wait3A_23 = tpu.memref_slice %arg5[%mul3A_16] : memref<4096xf32, #tpu.memory_space<hbm>> -> memref<1024xf32, #tpu.memory_space<hbm>>
        %dma_wait3A_24 = tpu.memref_slice %arg5[%mul3A_16] : memref<4096xf32, #tpu.memory_space<hbm>> -> memref<1024xf32, #tpu.memory_space<hbm>>
        %dma_wait3A_25 = arith.constant 0 : i32
        %dma_wait3A_26 = tpu.memref_slice %arg9[%dma_wait3A_25] : memref<1040xf32, #tpu.memory_space<vmem>> -> memref<1024xf32, #tpu.memory_space<vmem>>
        tpu.wait_dma2 semaphore(%run_scoped3A : memref<!tpu.dma_semaphore, #tpu.memory_space<semaphore_mem>>) src(%dma_wait3A_26 : memref<1024xf32, #tpu.memory_space<vmem>>) dst(%dma_wait3A_24 : memref<1024xf32, #tpu.memory_space<hbm>>)
        tpu.yield
      }) : () -> ()
    } else {
    }
    return
  }
}

#map = affine_map<(d0, d1) -> (0, 0)>
#map1 = affine_map<(d0, d1) -> (0)>
module attributes {stable_mosaic.version = 14 : i64} {
  func.func @new_body(%arg0: i32, %arg1: i32, %arg2: memref<32768x768xf32, #tpu.memory_space<hbm>>, %arg3: memref<4096xi32, #tpu.memory_space<hbm>>, %arg4: memref<4096x768xf32, #tpu.memory_space<hbm>>, %arg5: memref<32768x768xf32, #tpu.memory_space<hbm>>, %arg6: memref<128xi32, #tpu.memory_space<vmem>>, %arg7: memref<128x768xf32, #tpu.memory_space<vmem>>, %arg8: memref<!tpu.dma_semaphore, #tpu.memory_space<semaphore_mem>>) attributes {dimension_semantics = [#tpu.dimension_semantics<core_parallel>, #tpu.dimension_semantics<subcore_parallel>], iteration_bounds = array<i64: 2, 16>, scalar_prefetch = 0 : i64, scratch_operands = 3 : i64, tpu.core_type = #tpu.core_type<sc_vector_subcore>, window_params = [{transform_indices = #map}, {transform_indices = #map1}, {transform_indices = #map}, {transform_indices = #map}]} {
    %mul3A = arith.constant 2 : i32
    %mul3A_0 = arith.muli %arg1, %mul3A : i32
    %add3A = arith.addi %mul3A_0, %arg0 : i32
    %mul3A_1 = arith.constant 128 : i32
    %mul3A_2 = arith.muli %add3A, %mul3A_1 : i32
    "tpu.region"() ({
      %run_scoped3A = tpu.sem_alloc : memref<!tpu.dma_semaphore, #tpu.memory_space<semaphore_mem>>
      %dma_start3A_7 = tpu.memref_slice %arg3[%mul3A_2] : memref<4096xi32, #tpu.memory_space<hbm>> -> memref<128xi32, #tpu.memory_space<hbm>>
      %dma_start3A_8 = tpu.memref_slice %arg3[%mul3A_2] : memref<4096xi32, #tpu.memory_space<hbm>> -> memref<128xi32, #tpu.memory_space<hbm>>
      tpu.enqueue_dma source(%dma_start3A_8 : memref<128xi32, #tpu.memory_space<hbm>>) target(%arg6 : memref<128xi32, #tpu.memory_space<vmem>>) target_semaphore(%run_scoped3A : memref<!tpu.dma_semaphore, #tpu.memory_space<semaphore_mem>>)
      %dma_wait3A_9 = tpu.memref_slice %arg3[%mul3A_2] : memref<4096xi32, #tpu.memory_space<hbm>> -> memref<128xi32, #tpu.memory_space<hbm>>
      %dma_wait3A_10 = tpu.memref_slice %arg3[%mul3A_2] : memref<4096xi32, #tpu.memory_space<hbm>> -> memref<128xi32, #tpu.memory_space<hbm>>
      tpu.wait_dma2 semaphore(%run_scoped3A : memref<!tpu.dma_semaphore, #tpu.memory_space<semaphore_mem>>) src(%dma_wait3A_10 : memref<128xi32, #tpu.memory_space<hbm>>) dst(%arg6 : memref<128xi32, #tpu.memory_space<vmem>>)
      tpu.yield
    }) : () -> ()
    "tpu.region"() ({
      %run_scoped3A = tpu.sem_alloc : memref<!tpu.dma_semaphore, #tpu.memory_space<semaphore_mem>>
      %dma_start3A_7 = arith.constant 0 : i32
      %dma_start3A_8 = tpu.memref_slice %arg4[%mul3A_2, %dma_start3A_7] : memref<4096x768xf32, #tpu.memory_space<hbm>> -> memref<128x768xf32, #tpu.memory_space<hbm>>
      %dma_start3A_9 = arith.constant 0 : i32
      %dma_start3A_10 = tpu.memref_slice %arg4[%mul3A_2, %dma_start3A_9] : memref<4096x768xf32, #tpu.memory_space<hbm>> -> memref<128x768xf32, #tpu.memory_space<hbm>>
      tpu.enqueue_dma source(%dma_start3A_10 : memref<128x768xf32, #tpu.memory_space<hbm>>) target(%arg7 : memref<128x768xf32, #tpu.memory_space<vmem>>) target_semaphore(%run_scoped3A : memref<!tpu.dma_semaphore, #tpu.memory_space<semaphore_mem>>)
      %dma_wait3A_11 = arith.constant 0 : i32
      %dma_wait3A_12 = tpu.memref_slice %arg4[%mul3A_2, %dma_wait3A_11] : memref<4096x768xf32, #tpu.memory_space<hbm>> -> memref<128x768xf32, #tpu.memory_space<hbm>>
      %dma_wait3A_13 = arith.constant 0 : i32
      %dma_wait3A_14 = tpu.memref_slice %arg4[%mul3A_2, %dma_wait3A_13] : memref<4096x768xf32, #tpu.memory_space<hbm>> -> memref<128x768xf32, #tpu.memory_space<hbm>>
      tpu.wait_dma2 semaphore(%run_scoped3A : memref<!tpu.dma_semaphore, #tpu.memory_space<semaphore_mem>>) src(%dma_wait3A_14 : memref<128x768xf32, #tpu.memory_space<hbm>>) dst(%arg7 : memref<128x768xf32, #tpu.memory_space<vmem>>)
      tpu.yield
    }) : () -> ()
    %dma_start3A = arith.constant 0 : i32
    %dma_start3A_3 = arith.constant 0 : i32
    %dma_start3A_4 = tpu.memref_slice %arg2[%dma_start3A, %dma_start3A_3] : memref<32768x768xf32, #tpu.memory_space<hbm>> -> memref<32768x768xf32, #tpu.memory_space<hbm>>
    tpu.enqueue_indirect_dma source(%arg7 : memref<128x768xf32, #tpu.memory_space<vmem>>) target(%dma_start3A_4 : memref<32768x768xf32, #tpu.memory_space<hbm>>) offsets(%arg6 : memref<128xi32, #tpu.memory_space<vmem>>) semaphore(%arg8 : memref<!tpu.dma_semaphore, #tpu.memory_space<semaphore_mem>>)
    %dma_wait3A = arith.constant 0 : i32
    %dma_wait3A_5 = arith.constant 0 : i32
    %dma_wait3A_6 = tpu.memref_slice %arg2[%dma_wait3A, %dma_wait3A_5] : memref<32768x768xf32, #tpu.memory_space<hbm>> -> memref<32768x768xf32, #tpu.memory_space<hbm>>
    tpu.wait_indirect_dma semaphore(%arg8 : memref<!tpu.dma_semaphore, #tpu.memory_space<semaphore_mem>>) src(%arg7 : memref<128x768xf32, #tpu.memory_space<vmem>>) dst(%dma_wait3A_6 : memref<32768x768xf32, #tpu.memory_space<hbm>>)
    return
  }
}

module attributes {stable_mosaic.version = 14 : i64} {
  func.func @_matmul_body(%arg0: i32, %arg1: memref<1024x768xf32, #tpu.memory_space<vmem>>, %arg2: memref<1x1x1024xf32, #tpu.memory_space<vmem>>, %arg3: memref<768x768xf32, #tpu.memory_space<vmem>>, %arg4: memref<1x768xf32, #tpu.memory_space<vmem>>, %arg5: memref<1x1xf32, #tpu.memory_space<vmem>>, %arg6: memref<1024x768xf32, #tpu.memory_space<vmem>>) attributes {dimension_semantics = [#tpu.dimension_semantics<arbitrary>], iteration_bounds = array<i64: 4>, scalar_prefetch = 0 : i64, scratch_operands = 0 : i64, tpu.core_type = #tpu.core_type<tc>, window_params = [{transform_indices = @transform_0, window_bounds = array<i64: 1024, 768>}, {transform_indices = @transform_1, window_bounds = array<i64: 1, 1, 1024>}, {pipeline_mode = #tpu.pipeline_mode<synchronous>, transform_indices = @transform_2, window_bounds = array<i64: 768, 768>}, {pipeline_mode = #tpu.pipeline_mode<synchronous>, transform_indices = @transform_3, window_bounds = array<i64: 1, 768>}, {pipeline_mode = #tpu.pipeline_mode<synchronous>, transform_indices = @transform_4, window_bounds = array<i64: 1, 1>}, {transform_indices = @transform_5, window_bounds = array<i64: 1024, 768>}]} {
    %get3A = arith.constant 0 : index
    %get3A_0 = arith.constant 0 : index
    %get3A_1 = vector.load %arg1[%get3A, %get3A_0] : memref<1024x768xf32, #tpu.memory_space<vmem>>, vector<1024x768xf32>
    %convert_element_type3A = arith.truncf %get3A_1 : vector<1024x768xf32> to vector<1024x768xbf16>
    %get3A_2 = arith.constant 0 : index
    %get3A_3 = arith.constant 0 : index
    %get3A_4 = vector.load %arg3[%get3A_2, %get3A_3] : memref<768x768xf32, #tpu.memory_space<vmem>>, vector<768x768xf32>
    %convert_element_type3A_5 = arith.truncf %get3A_4 : vector<768x768xf32> to vector<768x768xbf16>
    %dot_general3A = arith.constant dense<0.000000e+00> : vector<1024x768xf32>
    %dot_general3A_6 = tpu.matmul %convert_element_type3A, %convert_element_type3A_5, %dot_general3A {dimension_numbers = #tpu.dot_dimension_numbers<[1], [0], [0], [1], [0, 0, 1, 1], [], []>, transpose_lhs_hint = false} : vector<1024x768xbf16>, vector<768x768xbf16>, vector<1024x768xf32> -> vector<1024x768xf32>
    %get3A_7 = arith.constant 0 : index
    %get3A_8 = arith.constant 0 : index
    %get3A_9 = vector.load %arg4[%get3A_7, %get3A_8] : memref<1x768xf32, #tpu.memory_space<vmem>>, vector<1x768xf32>
    %add3A = vector.broadcast %get3A_9 : vector<1x768xf32> to vector<1024x768xf32>
    %add3A_10 = arith.addf %dot_general3A_6, %add3A : vector<1024x768xf32>
    %get3A_11 = arith.constant 0 : index
    %get3A_12 = arith.constant 0 : index
    %get3A_13 = arith.constant 0 : index
    %get3A_14 = vector.load %arg2[%get3A_11, %get3A_12, %get3A_13] : memref<1x1x1024xf32, #tpu.memory_space<vmem>>, vector<1x1x1024xf32>
    %get3A_15 = vector.shape_cast %get3A_14 : vector<1x1x1024xf32> to vector<1024xf32>
    %get3A_16 = arith.constant 0 : index
    %get3A_17 = arith.constant 0 : index
    %get3A_18 = vector.load %arg5[%get3A_16, %get3A_17] : memref<1x1xf32, #tpu.memory_space<vmem>>, vector<1x1xf32>
    %get3A_19 = vector.extract %get3A_18[0, 0] : f32 from vector<1x1xf32>
    %add3A_20 = vector.broadcast %get3A_19 : f32 to vector<1024xf32>
    %add3A_21 = arith.addf %get3A_15, %add3A_20 : vector<1024xf32>
    %broadcast_in_dim3A = vector.shape_cast %add3A_21 : vector<1024xf32> to vector<1024x1xf32>
    %mul3A = vector.broadcast %broadcast_in_dim3A : vector<1024x1xf32> to vector<1024x768xf32>
    %mul3A_22 = arith.mulf %add3A_10, %mul3A : vector<1024x768xf32>
    %swap3A = arith.constant 0 : index
    %swap3A_23 = arith.constant 0 : index
    %swap3A_24 = vector.load %arg6[%swap3A, %swap3A_23] : memref<1024x768xf32, #tpu.memory_space<vmem>>, vector<1024x768xf32>
    tpu.vector_store %arg6[%swap3A, %swap3A_23], %mul3A_22 {strides = array<i32>} : memref<1024x768xf32, #tpu.memory_space<vmem>>, vector<1024x768xf32>,
    return
  }
  func.func @transform_0(%arg0: i32) -> (i32, i32) {
    %c0_i32 = arith.constant 0 : i32
    %c0_i32_0 = arith.constant 0 : i32
    return %arg0, %c0_i32 : i32, i32
  }
  func.func @transform_1(%arg0: i32) -> (i32, i32, i32) {
    %c0_i32 = arith.constant 0 : i32
    %c0_i32_0 = arith.constant 0 : i32
    %c0_i32_1 = arith.constant 0 : i32
    return %arg0, %c0_i32, %c0_i32_0 : i32, i32, i32
  }
  func.func @transform_2(%arg0: i32) -> (i32, i32) {
    %c0_i32 = arith.constant 0 : i32
    %c0_i32_0 = arith.constant 0 : i32
    %c0_i32_1 = arith.constant 0 : i32
    return %c0_i32, %c0_i32_0 : i32, i32
  }
  func.func @transform_3(%arg0: i32) -> (i32, i32) {
    %c0_i32 = arith.constant 0 : i32
    %c0_i32_0 = arith.constant 0 : i32
    %c0_i32_1 = arith.constant 0 : i32
    return %c0_i32, %c0_i32_0 : i32, i32
  }
  func.func @transform_4(%arg0: i32) -> (i32, i32) {
    %c0_i32 = arith.constant 0 : i32
    %c0_i32_0 = arith.constant 0 : i32
    %c0_i32_1 = arith.constant 0 : i32
    return %c0_i32, %c0_i32_0 : i32, i32
  }
  func.func @transform_5(%arg0: i32) -> (i32, i32) {
    %c0_i32 = arith.constant 0 : i32
    %c0_i32_0 = arith.constant 0 : i32
    return %arg0, %c0_i32 : i32, i32
  }
}

module attributes {stable_mosaic.version = 14 : i64} {
  func.func @_prep_body(%arg0: i32, %arg1: memref<1024x768xf32, #tpu.memory_space<vmem>>, %arg2: memref<1x768xf32, #tpu.memory_space<vmem>>, %arg3: memref<1024x768xf32, #tpu.memory_space<vmem>>, %arg4: memref<4x8192xf32, #tpu.memory_space<vmem>>, %arg5: memref<4x8192xf32, #tpu.memory_space<vmem>>, %arg6: memref<4x8192xf32, #tpu.memory_space<vmem>>) attributes {dimension_semantics = [#tpu.dimension_semantics<arbitrary>], iteration_bounds = array<i64: 33>, scalar_prefetch = 0 : i64, scratch_operands = 1 : i64, tpu.core_type = #tpu.core_type<tc>, window_params = [{transform_indices = @transform_0, window_bounds = array<i64: 1024, 768>}, {pipeline_mode = #tpu.pipeline_mode<synchronous>, transform_indices = @transform_1, window_bounds = array<i64: 1, 768>}, {transform_indices = @transform_2, window_bounds = array<i64: 1024, 768>}, {pipeline_mode = #tpu.pipeline_mode<synchronous>, transform_indices = @transform_3, window_bounds = array<i64: 4, 8192>}, {pipeline_mode = #tpu.pipeline_mode<synchronous>, transform_indices = @transform_4, window_bounds = array<i64: 4, 8192>}]} {
    %lt3A = arith.constant 32 : i32
    %lt3A_0 = arith.cmpi slt, %arg0, %lt3A : i32
    %convert_element_type3A = arith.extui %lt3A_0 : i1 to i32
    %cond3A = arith.constant 0 : i32
    %cond3A_1 = arith.cmpi ne, %convert_element_type3A, %cond3A : i32
    scf.if %cond3A_1 {
      %get3A = arith.constant 0 : index
      %get3A_6 = arith.constant 0 : index
      %get3A_7 = vector.load %arg1[%get3A, %get3A_6] : memref<1024x768xf32, #tpu.memory_space<vmem>>, vector<1024x768xf32>
      %swap3A = arith.constant 0 : index
      %swap3A_8 = arith.constant 0 : index
      %swap3A_9 = vector.load %arg3[%swap3A, %swap3A_8] : memref<1024x768xf32, #tpu.memory_space<vmem>>, vector<1024x768xf32>
      tpu.vector_store %arg3[%swap3A, %swap3A_8], %get3A_7 {strides = array<i32>} : memref<1024x768xf32, #tpu.memory_space<vmem>>, vector<1024x768xf32>,
      %convert_element_type3A_10 = arith.truncf %get3A_7 : vector<1024x768xf32> to vector<1024x768xbf16>
      %convert_element_type3A_11 = arith.extf %convert_element_type3A_10 : vector<1024x768xbf16> to vector<1024x768xf32>
      %get3A_12 = arith.constant 0 : index
      %get3A_13 = arith.constant 0 : index
      %get3A_14 = vector.load %arg2[%get3A_12, %get3A_13] : memref<1x768xf32, #tpu.memory_space<vmem>>, vector<1x768xf32>
      %convert_element_type3A_15 = arith.truncf %get3A_14 : vector<1x768xf32> to vector<1x768xbf16>
      %convert_element_type3A_16 = arith.extf %convert_element_type3A_15 : vector<1x768xbf16> to vector<1x768xf32>
      %mul3A = vector.broadcast %convert_element_type3A_16 : vector<1x768xf32> to vector<1024x768xf32>
      %mul3A_17 = arith.mulf %convert_element_type3A_11, %mul3A : vector<1024x768xf32>
      %reduce_sum3A = arith.constant dense<0.000000e+00> : vector<1024xf32>
      %reduce_sum3A_18 = vector.multi_reduction <add>, %mul3A_17, %reduce_sum3A [1] : vector<1024x768xf32> to vector<1024xf32>
      %jit3A = arith.constant 8 : i32
      %div3A = arith.divsi %arg0, %jit3A : i32
      %sign3A = arith.constant 0 : i32
      %sign3A_19 = arith.cmpi sgt, %arg0, %sign3A : i32
      %sign3A_20 = arith.extui %sign3A_19 : i1 to i32
      %sign3A_21 = arith.constant 0 : i32
      %sign3A_22 = arith.cmpi slt, %arg0, %sign3A_21 : i32
      %sign3A_23 = arith.extui %sign3A_22 : i1 to i32
      %sign3A_24 = arith.subi %sign3A_20, %sign3A_23 : i32
      %sign3A_25 = arith.constant 0 : i32
      %sign3A_26 = arith.cmpi sgt, %jit3A, %sign3A_25 : i32
      %sign3A_27 = arith.extui %sign3A_26 : i1 to i32
      %sign3A_28 = arith.constant 0 : i32
      %sign3A_29 = arith.cmpi slt, %jit3A, %sign3A_28 : i32
      %sign3A_30 = arith.extui %sign3A_29 : i1 to i32
      %sign3A_31 = arith.subi %sign3A_27, %sign3A_30 : i32
      %ne3A = arith.cmpi ne, %sign3A_24, %sign3A_31 : i32
      %rem3A = arith.remsi %arg0, %jit3A : i32
      %ne3A_32 = arith.constant 0 : i32
      %ne3A_33 = arith.cmpi ne, %rem3A, %ne3A_32 : i32
      %and3A = arith.andi %ne3A, %ne3A_33 : i1
      %sub3A = arith.constant 1 : i32
      %sub3A_34 = arith.subi %div3A, %sub3A : i32
      %select_n3A = arith.select %and3A, %sub3A_34, %div3A : i32
      %jit3A_35 = arith.constant 8 : i32
      %eq3A_36 = arith.constant 0 : i32
      %eq3A_37 = arith.cmpi eq, %jit3A_35, %eq3A_36 : i32
      %jit3A_38 = arith.constant 1 : i32
      %select_n3A_39 = arith.select %eq3A_37, %jit3A_38, %jit3A_35 : i32
      %rem3A_40 = arith.remsi %arg0, %select_n3A_39 : i32
      %ne3A_41 = arith.constant 0 : i32
      %ne3A_42 = arith.cmpi ne, %rem3A_40, %ne3A_41 : i32
      %lt3A_43 = arith.constant 0 : i32
      %lt3A_44 = arith.cmpi slt, %rem3A_40, %lt3A_43 : i32
      %lt3A_45 = arith.constant 0 : i32
      %lt3A_46 = arith.cmpi slt, %select_n3A_39, %lt3A_45 : i32
      %ne3A_47 = arith.xori %lt3A_44, %lt3A_46 : i1
      %and3A_48 = arith.andi %ne3A_47, %ne3A_42 : i1
      %add3A = arith.addi %rem3A_40, %select_n3A_39 : i32
      %select_n3A_49 = arith.select %and3A_48, %add3A, %rem3A_40 : i32
      %mul3A_50 = arith.constant 1024 : i32
      %mul3A_51 = arith.muli %select_n3A_49, %mul3A_50 : i32
      %reshape3A = vector.shape_cast %reduce_sum3A_18 : vector<1024xf32> to vector<1x1024xf32>
      %swap3A_52 = arith.index_cast %select_n3A : i32 to index
      %swap3A_53 = arith.index_cast %mul3A_51 : i32 to index
      %swap3A_54 = vector.load %arg6[%swap3A_52, %swap3A_53] : memref<4x8192xf32, #tpu.memory_space<vmem>>, vector<1x1024xf32>
      tpu.vector_store %arg6[%swap3A_52, %swap3A_53], %reshape3A {strides = array<i32>} : memref<4x8192xf32, #tpu.memory_space<vmem>>, vector<1x1024xf32>,
    } else {
    }
    %eq3A = arith.constant 32 : i32
    %eq3A_2 = arith.cmpi eq, %arg0, %eq3A : i32
    %convert_element_type3A_3 = arith.extui %eq3A_2 : i1 to i32
    %cond3A_4 = arith.constant 0 : i32
    %cond3A_5 = arith.cmpi ne, %convert_element_type3A_3, %cond3A_4 : i32
    scf.if %cond3A_5 {
      %get3A = arith.constant 0 : index
      %get3A_6 = arith.constant 0 : index
      %get3A_7 = vector.load %arg6[%get3A, %get3A_6] : memref<4x8192xf32, #tpu.memory_space<vmem>>, vector<4x8192xf32>
      %swap3A = arith.constant 0 : index
      %swap3A_8 = arith.constant 0 : index
      %swap3A_9 = vector.load %arg5[%swap3A, %swap3A_8] : memref<4x8192xf32, #tpu.memory_space<vmem>>, vector<4x8192xf32>
      tpu.vector_store %arg5[%swap3A, %swap3A_8], %get3A_7 {strides = array<i32>} : memref<4x8192xf32, #tpu.memory_space<vmem>>, vector<4x8192xf32>,
      %bitcast_convert_type3A = tpu.bitcast %get3A_7 : vector<4x8192xf32> -> vector<4x8192xi32>
      %lt3A_10 = arith.constant 0 : i32
      %lt3A_11 = vector.broadcast %lt3A_10 : i32 to vector<4x8192xi32>
      %lt3A_12 = arith.cmpi slt, %bitcast_convert_type3A, %lt3A_11 : vector<4x8192xi32>
      %xor3A = arith.constant 2147483647 : i32
      %xor3A_13 = vector.broadcast %xor3A : i32 to vector<4x8192xi32>
      %xor3A_14 = arith.xori %bitcast_convert_type3A, %xor3A_13 : vector<4x8192xi32>
      %select_n3A = arith.select %lt3A_12, %xor3A_14, %bitcast_convert_type3A : vector<4x8192xi1>, vector<4x8192xi32>
      %broadcast_in_dim3A = arith.constant 0 : i32
      %broadcast_in_dim3A_15 = vector.broadcast %broadcast_in_dim3A : i32 to vector<4x1xi32>
      %scan3A = arith.constant 0 : i32
      %scan3A_16 = arith.constant 32 : i32
      %scan3A_17 = arith.addi %scan3A, %scan3A_16 : i32
      %scan3A_18 = arith.constant 1 : i32
      %scan3A_19 = scf.for %scan3A_46 = %scan3A to %scan3A_17 step %scan3A_18 iter_args(%scan3A_47 = %broadcast_in_dim3A_15) -> (vector<4x1xi32>)  : i32 {
        %sub3A_48 = arith.constant 31 : i32
        %sub3A_49 = arith.subi %sub3A_48, %scan3A_46 : i32
        %shift_left3A = arith.constant 1 : i32
        %shift_left3A_50 = arith.shli %shift_left3A, %sub3A_49 : i32
        %or3A_51 = vector.broadcast %shift_left3A_50 : i32 to vector<4x1xi32>
        %or3A_52 = arith.ori %scan3A_47, %or3A_51 : vector<4x1xi32>
        %xor3A_53 = arith.constant -2147483648 : i32
        %xor3A_54 = vector.broadcast %xor3A_53 : i32 to vector<4x1xi32>
        %xor3A_55 = arith.xori %or3A_52, %xor3A_54 : vector<4x1xi32>
        %ge3A = vector.broadcast %xor3A_55 : vector<4x1xi32> to vector<4x8192xi32>
        %ge3A_56 = arith.cmpi sge, %select_n3A, %ge3A : vector<4x8192xi32>
        %convert_element_type3A_57 = arith.extui %ge3A_56 : vector<4x8192xi1> to vector<4x8192xi32>
        %reduce_sum3A_58 = arith.constant dense<0> : vector<4xi32>
        %reduce_sum3A_59 = vector.multi_reduction <add>, %convert_element_type3A_57, %reduce_sum3A_58 [1] : vector<4x8192xi32> to vector<4xi32>
        %broadcast_in_dim3A_60 = vector.shape_cast %reduce_sum3A_59 : vector<4xi32> to vector<4x1xi32>
        %ge3A_61 = arith.constant 1024 : i32
        %ge3A_62 = vector.broadcast %ge3A_61 : i32 to vector<4x1xi32>
        %ge3A_63 = arith.cmpi sge, %broadcast_in_dim3A_60, %ge3A_62 : vector<4x1xi32>
        %select_n3A_64 = arith.select %ge3A_63, %or3A_52, %scan3A_47 : vector<4x1xi1>, vector<4x1xi32>
        scf.yield %select_n3A_64 : vector<4x1xi32>
      }
      %scan3A_20 = arith.constant 32 : i32
      %xor3A_21 = arith.constant -2147483648 : i32
      %xor3A_22 = vector.broadcast %xor3A_21 : i32 to vector<4x1xi32>
      %xor3A_23 = arith.xori %scan3A_19, %xor3A_22 : vector<4x1xi32>
      %gt3A = vector.broadcast %xor3A_23 : vector<4x1xi32> to vector<4x8192xi32>
      %gt3A_24 = arith.cmpi sgt, %select_n3A, %gt3A : vector<4x8192xi32>
      %convert_element_type3A_25 = arith.extui %gt3A_24 : vector<4x8192xi1> to vector<4x8192xi32>
      %reduce_sum3A = arith.constant dense<0> : vector<4xi32>
      %reduce_sum3A_26 = vector.multi_reduction <add>, %convert_element_type3A_25, %reduce_sum3A [1] : vector<4x8192xi32> to vector<4xi32>
      %broadcast_in_dim3A_27 = vector.shape_cast %reduce_sum3A_26 : vector<4xi32> to vector<4x1xi32>
      %sub3A = arith.constant 1024 : i32
      %sub3A_28 = vector.broadcast %sub3A : i32 to vector<4x1xi32>
      %sub3A_29 = arith.subi %sub3A_28, %broadcast_in_dim3A_27 : vector<4x1xi32>
      %eq3A_30 = vector.broadcast %xor3A_23 : vector<4x1xi32> to vector<4x8192xi32>
      %eq3A_31 = arith.cmpi eq, %select_n3A, %eq3A_30 : vector<4x8192xi32>
      %iota3A = tpu.iota {dimensions = array<i32: 1>} : vector<4x8192xi32>
      %broadcast_in_dim3A_32 = arith.constant 0 : i32
      %broadcast_in_dim3A_33 = vector.broadcast %broadcast_in_dim3A_32 : i32 to vector<4x1xi32>
      %scan3A_34 = arith.constant 0 : i32
      %scan3A_35 = arith.constant 14 : i32
      %scan3A_36 = arith.addi %scan3A_34, %scan3A_35 : i32
      %scan3A_37 = arith.constant 1 : i32
      %scan3A_38 = scf.for %scan3A_46 = %scan3A_34 to %scan3A_36 step %scan3A_37 iter_args(%scan3A_47 = %broadcast_in_dim3A_33) -> (vector<4x1xi32>)  : i32 {
        %sub3A_48 = arith.constant 13 : i32
        %sub3A_49 = arith.subi %sub3A_48, %scan3A_46 : i32
        %shift_left3A = arith.constant 1 : i32
        %shift_left3A_50 = arith.shli %shift_left3A, %sub3A_49 : i32
        %or3A_51 = vector.broadcast %shift_left3A_50 : i32 to vector<4x1xi32>
        %or3A_52 = arith.ori %scan3A_47, %or3A_51 : vector<4x1xi32>
        %lt3A_53 = vector.broadcast %or3A_52 : vector<4x1xi32> to vector<4x8192xi32>
        %lt3A_54 = arith.cmpi slt, %iota3A, %lt3A_53 : vector<4x8192xi32>
        %and3A_55 = arith.andi %eq3A_31, %lt3A_54 : vector<4x8192xi1>
        %convert_element_type3A_56 = arith.extui %and3A_55 : vector<4x8192xi1> to vector<4x8192xi32>
        %reduce_sum3A_57 = arith.constant dense<0> : vector<4xi32>
        %reduce_sum3A_58 = vector.multi_reduction <add>, %convert_element_type3A_56, %reduce_sum3A_57 [1] : vector<4x8192xi32> to vector<4xi32>
        %broadcast_in_dim3A_59 = vector.shape_cast %reduce_sum3A_58 : vector<4xi32> to vector<4x1xi32>
        %lt3A_60 = arith.cmpi slt, %broadcast_in_dim3A_59, %sub3A_29 : vector<4x1xi32>
        %select_n3A_61 = arith.select %lt3A_60, %or3A_52, %scan3A_47 : vector<4x1xi1>, vector<4x1xi32>
        scf.yield %select_n3A_61 : vector<4x1xi32>
      }
      %scan3A_39 = arith.constant 14 : i32
      %le3A = vector.broadcast %scan3A_38 : vector<4x1xi32> to vector<4x8192xi32>
      %le3A_40 = arith.cmpi sle, %iota3A, %le3A : vector<4x8192xi32>
      %and3A = arith.andi %eq3A_31, %le3A_40 : vector<4x8192xi1>
      %or3A = arith.ori %gt3A_24, %and3A : vector<4x8192xi1>
      %convert_element_type3A_41 = arith.extui %or3A : vector<4x8192xi1> to vector<4x8192xi32>
      %convert_element_type3A_42 = arith.sitofp %convert_element_type3A_41 : vector<4x8192xi32> to vector<4x8192xf32>
      %swap3A_43 = arith.constant 0 : index
      %swap3A_44 = arith.constant 0 : index
      %swap3A_45 = vector.load %arg4[%swap3A_43, %swap3A_44] : memref<4x8192xf32, #tpu.memory_space<vmem>>, vector<4x8192xf32>
      tpu.vector_store %arg4[%swap3A_43, %swap3A_44], %convert_element_type3A_42 {strides = array<i32>} : memref<4x8192xf32, #tpu.memory_space<vmem>>, vector<4x8192xf32>,
    } else {
    }
    return
  }
  func.func @transform_0(%arg0: i32) -> (i32, i32) {
    %min3A = arith.constant 31 : i32
    %min3A_0 = arith.minsi %arg0, %min3A : i32
    %c0_i32 = arith.constant 0 : i32
    %c0_i32_1 = arith.constant 0 : i32
    return %min3A_0, %c0_i32 : i32, i32
  }
  func.func @transform_1(%arg0: i32) -> (i32, i32) {
    %c0_i32 = arith.constant 0 : i32
    %c0_i32_0 = arith.constant 0 : i32
    %c0_i32_1 = arith.constant 0 : i32
    return %c0_i32, %c0_i32_0 : i32, i32
  }
  func.func @transform_2(%arg0: i32) -> (i32, i32) {
    %min3A = arith.constant 31 : i32
    %min3A_0 = arith.minsi %arg0, %min3A : i32
    %c0_i32 = arith.constant 0 : i32
    %c0_i32_1 = arith.constant 0 : i32
    return %min3A_0, %c0_i32 : i32, i32
  }
  func.func @transform_3(%arg0: i32) -> (i32, i32) {
    %c0_i32 = arith.constant 0 : i32
    %c0_i32_0 = arith.constant 0 : i32
    %c0_i32_1 = arith.constant 0 : i32
    return %c0_i32, %c0_i32_0 : i32, i32
  }
  func.func @transform_4(%arg0: i32) -> (i32, i32) {
    %c0_i32 = arith.constant 0 : i32
    %c0_i32_0 = arith.constant 0 : i32
    %c0_i32_1 = arith.constant 0 : i32
    return %c0_i32, %c0_i32_0 : i32, i32
  }
}

</mosaic_0001>

<sc_bundles>
// kernel: kernel.10.cloned.1.call-start
scs
__scs_entry_jumppad:
0x0: {  	(pc) =	sbr.rel $0x88, $3  }
0x1: {  	(tag) =	ssettag $0x0;
	lr =	simm.s32 $0x1  }
0x2: {  	[smem:$0x3F9C] =	sst lr;
	_ =	strace $0xD0000000  }
0x3: {  	_ = 	snop  }
0x4: {  	_ = 	snop  }
0x5: {  	_ = 	snop  }
0x6: {  	_ = 	snop  }
0x7: {  	_ = 	snop  }
__scs_overlays_trampoline_lowered:
0x8: {  	[smem:$0x3FAB] =	sst s0  }
0x9: {  	[smem:$0x3FAC] =	sst s1  }
0xa: {  	[smem:$0x3FAD] =	sst s2  }
0xb: {  	[smem:$0x3FAE] =	sst s3  }
0xc: {  	[smem:$0x3FAF] =	sst s4  }
0xd: {  	[smem:$0x3FB0] =	sst s5  }
0xe: {  	[smem:$0x3FB1] =	sst s6  }
0xf: {  	[smem:$0x3FB2] =	sst s7  }
0x10: {  	[smem:$0x3FB3] =	sst s8  }
0x11: {  	[smem:$0x3FB4] =	sst s9;
	s0 =	simm.s32 @!p0 $0x0  }
0x12: {  	s1 =	sld [smem:$0x3F9A];
	s0 =	simm.s32 @p0 $0x1  }
0x13: {  	[smem:$0x3FB5] =	sst s0;
	s0 =	simm.s32 @!p1 $0x0  }
0x14: {  	s2 =	sld [smem:$0x3F99];
	s0 =	simm.s32 @p1 $0x1  }
0x15: {  	[smem:$0x3FB6] =	sst s0;
	s0 =	simm.s32 @!p2 $0x0  }
0x16: {  	s3 =	sld [smem:$0x3FDB];
	s0 =	simm.s32 @p2 $0x1  }
0x17: {  	s4 =	simm.s32 $0x1BF5;
	[smem:$0x3FB8] =	sst s0  }
0x18: {  	s0 =	sld [smem:$0x3F9B];
	_ =	swait.ge [sflag:s4], $0x0  }
0x19: {  	s7 =	sld [smem:$0x3F9C]  }
0x1a: {  	s8 =	sadd.s32 $0xFFFFE003, lr  }
0x1b: {  	s9 =	sadd.s32 $0xFFFFFEF7, lr;
	s5 =	simm.s32 $0xFFFFFFFF;
	p2 =	slt.u32 s8, $0xFFFFF086  }
0x1c: {  	p1 =	slt.u32 s9, $0xF7A;
	s5 =	simm.s32 @!p2 $0x0  }
0x1d: {  	s5 =	simm.s32 @p1 $0x1;
	p0 =	seq.s32 s7, s2  }
0x1e: {  	s7 =	smul.u32 @!p0 $0xF7A, s2;
	p2 =	seq.s32 @!p0 s5, $0x0  }
0x1f: {  	s9 =	smul.u32 $0xF7A, s1;
	s8 =	simm.s32 @!p0 $0x1BF5;
	p2 =	por !p2, p0  }
0x20: {  	[sflag:s8] =	ssyncset.s32 @!p0 $0xFFFFF086;
	s6 =	sadd.s32 @!p0 s3, s7;
	s7 =	simm.s32 @!p0 $0x108  }
0x21: {  	s3 =	sadd.s32 s3, s9;
	s6 =	sadd.s32 @!p0 $0x88, s6;
	s7 =	simm.s32 @p2 $0x1082  }
0x22: {  	[simem:s7], [sflag:s8] =	dma.local @!p0 [hbm:s6], $0xF7A  }
0x23: {  	s9 =	sor.u32 $0xD0000000, s2;
	s6 =	simm.s32 $0x108;
	_ =	swait.ge @!p0 [sflag:s8], $0x0  }
0x24: {  	s3 =	sadd.s32 $0x88, s3;
	s6 =	simm.s32 @!p1 $0x1082;
	[sflag:s4] =	ssyncset.s32 $0xFFFFF086  }
0x25: {  	[simem:s6], [sflag:s4] =	dma.local [hbm:s3], $0xF7A  }
0x26: {  	[smem:$0x3F9C] =	sst s1;
	(tag) =	ssettag s2;
	_ =	strace s9  }
0x27: {  	s1 =	sld [smem:$0x3FAC]  }
0x28: {  	s2 =	sld [smem:$0x3FAD]  }
0x29: {  	s4 =	sld [smem:$0x3FAF]  }
0x2a: {  	p0 =	seq.s32 s5, $0x0;
	s5 =	sld [smem:$0x3FB0]  }
0x2b: {  	s6 =	sld [smem:$0x3FB1]  }
0x2c: {  	s7 =	sld [smem:$0x3FB2]  }
0x2d: {  	s3 =	simm.s32 $0x108;
	s8 =	sld [smem:$0x3FB3]  }
0x2e: {  	s3 =	simm.s32 @!p0 $0x1082;
	s9 =	sld [smem:$0x3FB4]  }
0x2f: {  	lr =	sadd.s32 s0, s3;
	s0 =	sld [smem:$0x3FAB]  }
0x30: {  	s3 =	sld [smem:$0x3FAE]  }
0x31: {  	[smem:$0x3FB7] =	sst s10  }
0x32: {  	s10 =	sld [smem:$0x3FB5];
	_ =	sdelay $0x3  }
0x33: {  	p0 =	seq.s32 s10, $0x1;
	s10 =	sld [smem:$0x3FB7];
	_ =	sdelay $0x3  }
0x34: {  	[smem:$0x3FB7] =	sst s10  }
0x35: {  	s10 =	sld [smem:$0x3FB6];
	_ =	sdelay $0x3  }
0x36: {  	p1 =	seq.s32 s10, $0x1;
	s10 =	sld [smem:$0x3FB7];
	_ =	sdelay $0x3  }
0x37: {  	[smem:$0x3FB7] =	sst s10  }
0x38: {  	s10 =	sld [smem:$0x3FB8]  }
0x39: {  	_ = 	snop;
	(pc) =	sbr.ind lr, $3  }
0x3a: {  	_ = 	snop  }
0x3b: {  	_ = 	snop  }
0x3c: {  	p2 =	seq.s32 s10, $0x1;
	s10 =	sld [smem:$0x3FB7]  }
0x3d: {  	_ =	shalt  }
0x3e: {  	_ =	shalt  }
0x3f: {  	_ =	shalt  }
0x40: {  	_ =	shalt  }
0x41: {  	_ =	shalt  }
0x42: {  	_ =	shalt  }
0x43: {  	_ =	shalt  }
0x44: {  	_ =	shalt  }
0x45: {  	_ =	shalt  }
0x46: {  	_ =	shalt  }
0x47: {  	_ =	shalt  }
0x48: {  	_ =	shalt  }
0x49: {  	_ =	shalt  }
0x4a: {  	_ =	shalt  }
0x4b: {  	_ =	shalt  }
0x4c: {  	_ =	shalt  }
0x4d: {  	_ =	shalt  }
0x4e: {  	_ =	shalt  }
0x4f: {  	_ =	shalt  }
0x50: {  	_ =	shalt  }
0x51: {  	_ =	shalt  }
0x52: {  	_ =	shalt  }
0x53: {  	_ =	shalt  }
0x54: {  	_ =	shalt  }
0x55: {  	_ =	shalt  }
0x56: {  	_ =	shalt  }
0x57: {  	_ =	shalt  }
0x58: {  	_ =	shalt  }
0x59: {  	_ =	shalt  }
0x5a: {  	_ =	shalt  }
0x5b: {  	_ =	shalt  }
0x5c: {  	_ =	shalt  }
0x5d: {  	_ =	shalt  }
0x5e: {  	_ =	shalt  }
0x5f: {  	_ =	shalt  }
0x60: {  	_ =	shalt  }
0x61: {  	_ =	shalt  }
0x62: {  	_ =	shalt  }
0x63: {  	_ =	shalt  }
0x64: {  	_ =	shalt  }
0x65: {  	_ =	shalt  }
0x66: {  	_ =	shalt  }
0x67: {  	_ =	shalt  }
0x68: {  	_ =	shalt  }
0x69: {  	_ =	shalt  }
0x6a: {  	_ =	shalt  }
0x6b: {  	_ =	shalt  }
0x6c: {  	_ =	shalt  }
0x6d: {  	_ =	shalt  }
0x6e: {  	_ =	shalt  }
0x6f: {  	_ =	shalt  }
0x70: {  	_ =	shalt  }
0x71: {  	_ =	shalt  }
0x72: {  	_ =	shalt  }
0x73: {  	_ =	shalt  }
0x74: {  	_ =	shalt  }
0x75: {  	_ =	shalt  }
0x76: {  	_ =	shalt  }
0x77: {  	_ =	shalt  }
0x78: {  	_ =	shalt  }
0x79: {  	_ =	shalt  }
0x7a: {  	_ =	shalt  }
0x7b: {  	_ =	shalt  }
0x7c: {  	_ =	shalt  }
0x7d: {  	_ =	shalt  }
0x7e: {  	_ =	shalt  }
0x7f: {  	_ =	shalt  }
0x80: {  	_ =	shalt  }
0x81: {  	_ =	shalt  }
0x82: {  	_ =	shalt  }
0x83: {  	_ =	shalt  }
0x84: {  	_ =	shalt  }
0x85: {  	_ =	shalt  }
0x86: {  	_ =	shalt  }
0x87: {  	_ =	shalt  }
.Lfunc_end0:
.L_simem_size_0:
called_computation.1_lowered:
.L_overlay_start_0:
0x88: {  	s2 =	sld [smem:$0x3FD9]  }
0x89: {  	s3 =	sld [smem:$0x3FFE];
	_ =	sdelay $0x1  }
0x8a: {  	s1 =	srdreg.scid  }
0x8b: {  	s0 =	sand.u32 $0x1, s1  }
0x8c: {  	s17 =	sshll.u32 s0, $0xA;
	s2 =	sadd.s32 s3, s2  }
0x8d: {  	s2 =	sadd.s32 s2, s17  }
0x8e: {  	[smem:$0x3FC3] =	sst s2  }
0x8f: {  	_ = 	snop  }
0x90: {  	s2 =	sld [smem:$0x3FC9];
	(tm) =	ssettm $0x1  }
0x91: {  	s18 =	sld [smem:$0x3FFB];
	_ =	sdelay $0x3  }
0x92: {  	_ =	strace s18  }
0x93: {  	s3 =	sld [smem:$0x3FFC];
	_ =	sdelay $0x3  }
0x94: {  	_ =	strace s3  }
0x95: {  	s3 =	sld [smem:$0x3FFD];
	_ =	sdelay $0x3  }
0x96: {  	_ =	strace s3  }
0x97: {  	_ =	strace $0x8FFFFFFF  }
0x98: {  	s19 =	sld [smem:$0x3FDB];
	_ =	sdelay $0x1  }
0x99: {  	s4 =	simm.s32 $_scs_section_size  }
0x9a: {  	s5 =	simm.s32 $_size__tile_overlayer_lowered;
	s6 =	simm.s32 $_tile_overlayer_lowered  }
0x9b: {  	s22 =	simm.s32 $0x1BFF;
	s21 =	sshll.u32 s6, $0x1;
	s3 =	sadd.s32 s4, s19  }
0x9c: {  	s7 =	simm.s32 $0x0;
	s20 =	sshll.u32 s5, $0x1;
	s5 =	sadd.s32 s21, s3  }
0x9d: {  	[timem:s7], [sflag:s22] =	dma.local [hbm:s5], s20  }
0x9e: {  	_ =	swait.ge [sflag:s22], s20  }
0x9f: {  	s4 =	ssub.s32 $0x0, s20;
	[sflag:s22] =	ssyncset.done $0x0  }
0xa0: {  	[sflag:s22] =	ssyncadd.s32 s4;
	_ =	sdelay $0x1  }
0xa1: {  	s23 =	simm.s32 $0x1B8B  }
0xa2: {  	_ =	swait.ge [sflag:s23], $0x1  }
0xa3: {  	[sflag:s23] =	ssyncset.done $0x0  }
0xa4: {  	s25 =	simm.s32 $0x1B8E;
	s24 =	sld [smem:$0x3FFE];
	[sflag:s23] =	ssyncadd.s32 $0xFFFFFFFF  }
0xa5: {  	s26 =	simm.s32 $execute0_lowered;
	[smem:$0x3FD2] =	sst s25  }
0xa6: {  	s5 =	sshll.u32 s26, $0x1;
	_ =	strace $0x80000049;
	[dreg:$0x1] =	wrdreg $0xFFFFFFFF  }
0xa7: {  	s28 =	simm.s32 $_size_execute0_lowered;
	s3 =	sadd.s32 s3, s5;
	[dreg:$0x0] =	wrdreg $0x0  }
0xa8: {  	s5 =	sshll.u32 s28, $0x1;
	[dreg:$0x2] =	wrdreg s3  }
0xa9: {  	[dreg:$0x3] =	wrdreg s5  }
0xaa: {  	[dreg:$0x4] =	wrdreg $0xC0  }
0xab: {  	_ =	task [dreg:s7], $0x5FFFF  }
0xac: {  	[dreg:$0x1] =	wrdreg $0xFFFFFFFF  }
0xad: {  	[dreg:$0x0] =	wrdreg $0x60  }
0xae: {  	[dreg:$0x2] =	wrdreg s24  }
0xaf: {  	[dreg:$0x3] =	wrdreg s2  }
0xb0: {  	[dreg:$0x4] =	wrdreg $0x9  }
0xb1: {  	_ =	task.clear_ibuf [dreg:s7], $0x5FFFF;
	_ =	strace $0x90000049  }
0xb2: {  	s29 =	simm.s32 $0x9;
	_ =	strace $0x8000004B  }
0xb3: {  	_ =	swait.ge [sflag:s29], $0x1  }
0xb4: {  	[sflag:s29] =	ssyncadd.s32 $0xFFFFFFFF  }
0xb5: {  	_ =	strace $0x9000004B  }
0xb6: {  	_ =	sfence  }
0xb7: {  	s30 =	sld [smem:$0x0];
	_ =	sdelay $0x2  }
0xb8: {  	s31 =	sshll.u32 s1, $0xD;
	s1 =	sshrl.u32 s1, $0x2  }
0xb9: {  	s3 =	sand.u32 $0x4000, s31;
	s1 =	sadd.s32 s1, s30  }
0xba: {  	s0 =	sor.u32 s3, s0;
	s1 =	sshll.u32 s1, $0x11  }
0xbb: {  	s0 =	sor.u32 s1, s0  }
0xbc: {  	s0 =	sadd.s32 $0x8F2B, s0  }
0xbd: {  	[sflag:s0] =	ssyncadd.remote.s32 $0x1  }
0xbe: {  	_ =	sfence.sel $0xFFFF  }
0xbf: {  	[dreg:$0x0] =	wrdreg $0xFFFFFFFF;
	(pc) =	sbr.abs _section_cstart, $3  }
0xc0: {  	[dreg:$0x1] =	wrdreg $0xFFFFFFFF  }
0xc1: {  	_ =	task.clear_ibuf [dreg:s7], $0x2FFFF;
	_ =	strace $0x9FFFFFFF  }
0xc2: {  	(tm) =	ssettm $0x7FFFFFFF  }
0xc3: {  	_ =	shalt  }
tec
execute0_lowered:
.L_overlay_start_1:
0x0: {  	(tag) =	ssettag $0x1  }
0x1: {  	s0 =	rddreg [dreg:$0x0]  }
0x2: {  	s1 =	rddreg [dreg:$0x1];
	s3 =	simm.s32 $0x0  }
0x3: {  	s21 =	simm.s32 $0x80;
	[smem:$0x7FF] =	sst s3  }
0x4: {  	s22 =	simm.s32 $0x900;
	_ =	strace $0x8000004A;
	[dreg:$0x7] =	wrdreg s21  }
0x5: {  	s23 =	simm.s32 $0x1100;
	[dreg:$0x8] =	wrdreg s22  }
0x6: {  	s24 =	simm.s32 $0x1900;
	[dreg:$0x9] =	wrdreg s23  }
0x7: {  	s4 =	srdreg.scid;
	s25 =	simm.s32 $0x2100;
	[dreg:$0xa] =	wrdreg s24  }
0x8: {  	s2 =	stileid.u32;
	s26 =	simm.s32 $0x2900;
	[dreg:$0xb] =	wrdreg s25  }
0x9: {  	s5 =	sshll.u32 s2, $0x5;
	s2 =	simm.s32 $0x3100;
	[dreg:$0xc] =	wrdreg s26  }
0xa: {  	s9 =	simm.s32 $0x5900;
	s10 =	simm.s32 $0x6100;
	[dreg:$0xd] =	wrdreg s2  }
0xb: {  	s11 =	simm.s32 $0x6900;
	s12 =	simm.s32 $0x7100;
	[dreg:$0x12] =	wrdreg s9  }
0xc: {  	s13 =	simm.s32 $0x7900;
	s14 =	simm.s32 $0x8100;
	[dreg:$0x13] =	wrdreg s10  }
0xd: {  	s15 =	simm.s32 $0x8900;
	s16 =	simm.s32 $0x9100;
	[dreg:$0x14] =	wrdreg s11  }
0xe: {  	s17 =	simm.s32 $0x9900;
	s28 =	simm.s32 $0x16900;
	[dreg:$0x15] =	wrdreg s12  }
0xf: {  	s29 =	simm.s32 $0x17100;
	s30 =	simm.s32 $0x17900;
	[dreg:$0x16] =	wrdreg s13  }
0x10: {  	s31 =	simm.s32 $0x1;
	s4 =	sand.u32 $0x1, s4;
	[dreg:$0x17] =	wrdreg s14  }
0x11: {  	s7 =	sadd.s32 $0x4200, s0;
	s0 =	sadd.s32 $0x4400, s0;
	[dreg:$0x18] =	wrdreg s15  }
0x12: {  	s6 =	sshll.u32 s4, $0x4;
	s4 =	ssub.s32 $0x2, s4;
	[dreg:$0x19] =	wrdreg s16  }
0x13: {  	[dreg:$0x1a] =	wrdreg s17;
	s21 =	simm.s32 $0xA900;
	s22 =	simm.s32 $0xB100  }
0x14: {  	s23 =	simm.s32 $0xB900;
	s24 =	simm.s32 $0xC900;
	s25 =	simm.s32 $0xD100  }
0x15: {  	s26 =	simm.s32 $0xD900;
	s9 =	simm.s32 $0xC100;
	[dreg:$0x1c] =	wrdreg s21  }
0x16: {  	s11 =	simm.s32 $0xE900;
	s12 =	simm.s32 $0xF100;
	[dreg:$0x1d] =	wrdreg s22  }
0x17: {  	s13 =	simm.s32 $0xF900;
	s14 =	simm.s32 $0x10100;
	[dreg:$0x1e] =	wrdreg s23  }
0x18: {  	s15 =	simm.s32 $0x10900;
	s16 =	simm.s32 $0x11100;
	[dreg:$0x1f] =	wrdreg s24  }
0x19: {  	s17 =	simm.s32 $0x11900;
	s5 =	sor.u32 s6, s5;
	[smem:$0x7FC] =	sst s25  }
0x1a: {  	s18 =	sshrl.u32 s4, $0x1;
	[smem:$0x7FD] =	sst s26;
	s21 =	simm.s32 $0x13900  }
0x1b: {  	s22 =	simm.s32 $0x14100;
	s23 =	simm.s32 $0x14900;
	s24 =	simm.s32 $0x15100  }
0x1c: {  	s25 =	simm.s32 $0x15900;
	s6 =	sadd.s32 s7, s5;
	s8 =	sor.u32 $0x8, s5  }
0x1d: {  	s26 =	simm.s32 $0x16100;
	[dreg:$0x3] =	wrdreg s6;
	s19 =	sadd.s32 s7, s8  }
0x1e: {  	s5 =	smul.u32 $0x300, s5;
	s6 =	simm.s32 $0x4100;
	[dreg:$0x4] =	wrdreg s19  }
0x1f: {  	s20 =	smul.u32 $0x300, s8;
	s7 =	simm.s32 $0x4900;
	[dreg:$0xf] =	wrdreg s6  }
0x20: {  	s8 =	simm.s32 $0x5100;
	s5 =	sadd.s32 s0, s5;
	[dreg:$0x10] =	wrdreg s7  }
0x21: {  	[dreg:$0x11] =	wrdreg s8;
	s19 =	simm.s32 $0xA100;
	s7 =	simm.s32 $0x3  }
0x22: {  	s8 =	simm.s32 $0x100;
	[dreg:$0x5] =	wrdreg s5;
	s0 =	sadd.s32 s0, s20  }
0x23: {  	s5 =	simm.s32 $0x3900;
	s20 =	ssub.s32 s4, s18;
	[dreg:$0x1b] =	wrdreg s19  }
0x24: {  	v2 =	vlaneseq.u32;
	s4 =	sadd.s32 $0x100, s1;
	s18 =	simm.s32 $0x12100;
	[dreg:$0x6] =	wrdreg s0  }
0x25: {  	vm0 =	vmmov $0xffff;
	v1 =	vshrl.u32 v2, $0x3;
	s19 =	simm.s32 $0x12900;
	[dreg:$0xe] =	wrdreg s5;
	s5 =	sadd.s32 $0x200, s1  }
0x26: {  	v0 =	vand.u32 $0x7, v2;
	v2 =	vor.u32 $0x8, v2;
	v1 =	vmul.u32 $0x8, v1;
	s6 =	smax.u32 s20, $0x1;
	s20 =	simm.s32 $0x13100;
	s0 =	simm.s32 $0x2  }
.LBB2_1:
0x27: {  	s2 =	rddreg [dreg:$0x3]  }
0x28: {  	[tilespmem:s3], [sflag:$0x3] =	stream.linear.gather [hbm4b:s2+s3], $0x40, $0x38;
	[tilespmem:$0x18100] =	vst v63  }
0x29: {  	_ =	swait.ge [sflag:s7], $0x40  }
0x2a: {  	s2 =	rddreg [dreg:$0x4];
	[sflag:s7] =	ssyncset.done $0x0  }
0x2b: {  	s10 =	rddreg [dreg:$0x7];
	[sflag:s7] =	ssyncadd.s32 $0xFFFFFFC0  }
0x2c: {  	[tilespmem:s10], [sflag:$0x3] =	stream.linear.gather [hbm4b:s2+s3], $0x40, $0x38;
	[tilespmem:$0x18100] =	vst v63  }
0x2d: {  	_ =	swait.ge [sflag:s7], $0x40  }
0x2e: {  	[sflag:s7] =	ssyncset.done $0x0  }
0x2f: {  	[sflag:s7] =	ssyncadd.s32 $0xFFFFFFC0  }
0x30: {  	v3 =	vld [tilespmem:$0x0];
	_ =	sdelay $0x4  }
0x31: {  	v4 =	vshrl.u32 v3, $0x3  }
0x32: {  	v4 =	vmul.u32 $0x30, v4  }
0x33: {  	v3 =	vand.u32 $0x7, v3  }
0x34: {  	v3 =	vor.u32 v3, v4  }
0x35: {  	v4 =	vperm.xlane v3, v0;
	_ =	sdelay $0x1  }
0x36: {  	v4 =	vadd.s32 v1, v4;
	_ =	sdelay $0x3  }
0x37: {  	v3 =	vperm.xlane v3, v2  }
0x38: {  	[tilespmem:s8], [sflag:$0x1] =	stream.indirect_vreg.gather [hbm4b:s1+s3], $0x80, v4, vm0, $0xb8;
	[tilespmem:$0x18100] =	vst v63  }
0x39: {  	s2 =	rddreg [dreg:$0x8];
	v3 =	vadd.s32 v1, v3  }
0x3a: {  	[tilespmem:s2], [sflag:$0x1] =	stream.indirect_vreg.gather [hbm4b:s4+s3], $0x80, v4, vm0, $0xb8;
	[tilespmem:$0x18100] =	vst v63  }
0x3b: {  	s10 =	rddreg [dreg:$0x9]  }
0x3c: {  	[tilespmem:s10], [sflag:$0x1] =	stream.indirect_vreg.gather [hbm4b:s5+s3], $0x80, v4, vm0, $0xb8;
	[tilespmem:$0x18100] =	vst v63  }
0x3d: {  	s2 =	rddreg [dreg:$0xa]  }
0x3e: {  	[tilespmem:s2], [sflag:$0x1] =	stream.indirect_vreg.gather [hbm4b:s1+s3], $0x80, v3, vm0, $0xb8;
	[tilespmem:$0x18100] =	vst v63  }
0x3f: {  	s10 =	rddreg [dreg:$0xb]  }
0x40: {  	[tilespmem:s10], [sflag:$0x1] =	stream.indirect_vreg.gather [hbm4b:s4+s3], $0x80, v3, vm0, $0xb8;
	[tilespmem:$0x18100] =	vst v63  }
0x41: {  	s2 =	rddreg [dreg:$0xc]  }
0x42: {  	[tilespmem:s2], [sflag:$0x1] =	stream.indirect_vreg.gather [hbm4b:s5+s3], $0x80, v3, vm0, $0xb8;
	[tilespmem:$0x18100] =	vst v63  }
0x43: {  	v3 =	vld [tilespmem:$0x10];
	_ =	sdelay $0x4  }
0x44: {  	v57 =	vshrl.u32 v3, $0x3  }
0x45: {  	v4 =	vmul.u32 $0x30, v57  }
0x46: {  	v3 =	vand.u32 $0x7, v3  }
0x47: {  	v3 =	vor.u32 v3, v4  }
0x48: {  	v4 =	vperm.xlane v3, v0;
	_ =	sdelay $0x1  }
0x49: {  	v4 =	vadd.s32 v1, v4;
	_ =	sdelay $0x3  }
0x4a: {  	s2 =	rddreg [dreg:$0xd];
	v3 =	vperm.xlane v3, v2  }
0x4b: {  	[tilespmem:s2], [sflag:$0x1] =	stream.indirect_vreg.gather [hbm4b:s1+s3], $0x80, v4, vm0, $0xb8;
	[tilespmem:$0x18100] =	vst v63  }
0x4c: {  	s10 =	rddreg [dreg:$0xe];
	v3 =	vadd.s32 v1, v3  }
0x4d: {  	[tilespmem:s10], [sflag:$0x1] =	stream.indirect_vreg.gather [hbm4b:s4+s3], $0x80, v4, vm0, $0xb8;
	[tilespmem:$0x18100] =	vst v63  }
0x4e: {  	s2 =	rddreg [dreg:$0xf]  }
0x4f: {  	[tilespmem:s2], [sflag:$0x1] =	stream.indirect_vreg.gather [hbm4b:s5+s3], $0x80, v4, vm0, $0xb8;
	[tilespmem:$0x18100] =	vst v63  }
0x50: {  	s10 =	rddreg [dreg:$0x10]  }
0x51: {  	[tilespmem:s10], [sflag:$0x1] =	stream.indirect_vreg.gather [hbm4b:s1+s3], $0x80, v3, vm0, $0xb8;
	[tilespmem:$0x18100] =	vst v63  }
0x52: {  	s2 =	rddreg [dreg:$0x11]  }
0x53: {  	[tilespmem:s2], [sflag:$0x1] =	stream.indirect_vreg.gather [hbm4b:s4+s3], $0x80, v3, vm0, $0xb8;
	[tilespmem:$0x18100] =	vst v63  }
0x54: {  	s10 =	rddreg [dreg:$0x12]  }
0x55: {  	[tilespmem:s10], [sflag:$0x1] =	stream.indirect_vreg.gather [hbm4b:s5+s3], $0x80, v3, vm0, $0xb8;
	[tilespmem:$0x18100] =	vst v63  }
0x56: {  	v3 =	vld [tilespmem:$0x20];
	_ =	sdelay $0x4  }
0x57: {  	v58 =	vshrl.u32 v3, $0x3  }
0x58: {  	v4 =	vmul.u32 $0x30, v58  }
0x59: {  	v3 =	vand.u32 $0x7, v3  }
0x5a: {  	v3 =	vor.u32 v3, v4  }
0x5b: {  	v4 =	vperm.xlane v3, v0;
	_ =	sdelay $0x1  }
0x5c: {  	v4 =	vadd.s32 v1, v4;
	_ =	sdelay $0x3  }
0x5d: {  	s2 =	rddreg [dreg:$0x13];
	v3 =	vperm.xlane v3, v2  }
0x5e: {  	[tilespmem:s2], [sflag:$0x1] =	stream.indirect_vreg.gather [hbm4b:s1+s3], $0x80, v4, vm0, $0xb8;
	[tilespmem:$0x18100] =	vst v63  }
0x5f: {  	s10 =	rddreg [dreg:$0x14];
	v3 =	vadd.s32 v1, v3  }
0x60: {  	[tilespmem:s10], [sflag:$0x1] =	stream.indirect_vreg.gather [hbm4b:s4+s3], $0x80, v4, vm0, $0xb8;
	[tilespmem:$0x18100] =	vst v63  }
0x61: {  	s2 =	rddreg [dreg:$0x15]  }
0x62: {  	[tilespmem:s2], [sflag:$0x1] =	stream.indirect_vreg.gather [hbm4b:s5+s3], $0x80, v4, vm0, $0xb8;
	[tilespmem:$0x18100] =	vst v63  }
0x63: {  	s10 =	rddreg [dreg:$0x16]  }
0x64: {  	[tilespmem:s10], [sflag:$0x1] =	stream.indirect_vreg.gather [hbm4b:s1+s3], $0x80, v3, vm0, $0xb8;
	[tilespmem:$0x18100] =	vst v63  }
0x65: {  	s2 =	rddreg [dreg:$0x17]  }
0x66: {  	[tilespmem:s2], [sflag:$0x1] =	stream.indirect_vreg.gather [hbm4b:s4+s3], $0x80, v3, vm0, $0xb8;
	[tilespmem:$0x18100] =	vst v63  }
0x67: {  	s10 =	rddreg [dreg:$0x18]  }
0x68: {  	[tilespmem:s10], [sflag:$0x1] =	stream.indirect_vreg.gather [hbm4b:s5+s3], $0x80, v3, vm0, $0xb8;
	[tilespmem:$0x18100] =	vst v63  }
0x69: {  	v3 =	vld [tilespmem:$0x30];
	_ =	sdelay $0x4  }
0x6a: {  	v59 =	vshrl.u32 v3, $0x3  }
0x6b: {  	v4 =	vmul.u32 $0x30, v59  }
0x6c: {  	v3 =	vand.u32 $0x7, v3  }
0x6d: {  	v3 =	vor.u32 v3, v4  }
0x6e: {  	v4 =	vperm.xlane v3, v0;
	_ =	sdelay $0x1  }
0x6f: {  	v4 =	vadd.s32 v1, v4;
	_ =	sdelay $0x3  }
0x70: {  	s2 =	rddreg [dreg:$0x19];
	v3 =	vperm.xlane v3, v2  }
0x71: {  	[tilespmem:s2], [sflag:$0x1] =	stream.indirect_vreg.gather [hbm4b:s1+s3], $0x80, v4, vm0, $0xb8;
	[tilespmem:$0x18100] =	vst v63  }
0x72: {  	s10 =	rddreg [dreg:$0x1a];
	v3 =	vadd.s32 v1, v3  }
0x73: {  	[tilespmem:s10], [sflag:$0x1] =	stream.indirect_vreg.gather [hbm4b:s4+s3], $0x80, v4, vm0, $0xb8;
	[tilespmem:$0x18100] =	vst v63  }
0x74: {  	s2 =	rddreg [dreg:$0x1b]  }
0x75: {  	[tilespmem:s2], [sflag:$0x1] =	stream.indirect_vreg.gather [hbm4b:s5+s3], $0x80, v4, vm0, $0xb8;
	[tilespmem:$0x18100] =	vst v63  }
0x76: {  	s10 =	rddreg [dreg:$0x1c]  }
0x77: {  	[tilespmem:s10], [sflag:$0x1] =	stream.indirect_vreg.gather [hbm4b:s1+s3], $0x80, v3, vm0, $0xb8;
	[tilespmem:$0x18100] =	vst v63  }
0x78: {  	s2 =	rddreg [dreg:$0x1d]  }
0x79: {  	[tilespmem:s2], [sflag:$0x1] =	stream.indirect_vreg.gather [hbm4b:s4+s3], $0x80, v3, vm0, $0xb8;
	[tilespmem:$0x18100] =	vst v63  }
0x7a: {  	s10 =	rddreg [dreg:$0x1e]  }
0x7b: {  	[tilespmem:s10], [sflag:$0x1] =	stream.indirect_vreg.gather [hbm4b:s5+s3], $0x80, v3, vm0, $0xb8;
	[tilespmem:$0x18100] =	vst v63  }
0x7c: {  	v3 =	vld [tilespmem:$0x80];
	_ =	sdelay $0x4  }
0x7d: {  	v60 =	vshrl.u32 v3, $0x3  }
0x7e: {  	v4 =	vmul.u32 $0x30, v60  }
0x7f: {  	v3 =	vand.u32 $0x7, v3  }
0x80: {  	v3 =	vor.u32 v3, v4  }
0x81: {  	v4 =	vperm.xlane v3, v0;
	_ =	sdelay $0x1  }
0x82: {  	v4 =	vadd.s32 v1, v4;
	_ =	sdelay $0x3  }
0x83: {  	s2 =	rddreg [dreg:$0x1f];
	v3 =	vperm.xlane v3, v2  }
0x84: {  	[tilespmem:s9], [sflag:$0x2] =	stream.indirect_vreg.gather [hbm4b:s1+s3], $0x80, v4, vm0, $0xb8;
	[tilespmem:$0x18100] =	vst v63  }
0x85: {  	s10 =	sld [smem:$0x7FC];
	v3 =	vadd.s32 v1, v3  }
0x86: {  	[tilespmem:s2], [sflag:$0x2] =	stream.indirect_vreg.gather [hbm4b:s4+s3], $0x80, v4, vm0, $0xb8;
	[tilespmem:$0x18100] =	vst v63  }
0x87: {  	s2 =	sld [smem:$0x7FD]  }
0x88: {  	[tilespmem:s10], [sflag:$0x2] =	stream.indirect_vreg.gather [hbm4b:s5+s3], $0x80, v4, vm0, $0xb8;
	[tilespmem:$0x18100] =	vst v63  }
0x89: {  	_ = 	snop  }
0x8a: {  	[tilespmem:s2], [sflag:$0x2] =	stream.indirect_vreg.gather [hbm4b:s1+s3], $0x80, v3, vm0, $0xb8;
	[tilespmem:$0x18100] =	vst v63  }
0x8b: {  	s10 =	simm.s32 $0xE100  }
0x8c: {  	[tilespmem:s10], [sflag:$0x2] =	stream.indirect_vreg.gather [hbm4b:s4+s3], $0x80, v3, vm0, $0xb8;
	[tilespmem:$0x18100] =	vst v63  }
0x8d: {  	_ = 	snop  }
0x8e: {  	[tilespmem:s11], [sflag:$0x2] =	stream.indirect_vreg.gather [hbm4b:s5+s3], $0x80, v3, vm0, $0xb8;
	[tilespmem:$0x18100] =	vst v63  }
0x8f: {  	v3 =	vld [tilespmem:$0x90];
	_ =	sdelay $0x4  }
0x90: {  	v61 =	vshrl.u32 v3, $0x3  }
0x91: {  	v4 =	vmul.u32 $0x30, v61  }
0x92: {  	v3 =	vand.u32 $0x7, v3  }
0x93: {  	v3 =	vor.u32 v3, v4  }
0x94: {  	v4 =	vperm.xlane v3, v0;
	_ =	sdelay $0x1  }
0x95: {  	v4 =	vadd.s32 v1, v4;
	_ =	sdelay $0x3  }
0x96: {  	v3 =	vperm.xlane v3, v2  }
0x97: {  	[tilespmem:s12], [sflag:$0x2] =	stream.indirect_vreg.gather [hbm4b:s1+s3], $0x80, v4, vm0, $0xb8;
	[tilespmem:$0x18100] =	vst v63  }
0x98: {  	v3 =	vadd.s32 v1, v3  }
0x99: {  	[tilespmem:s13], [sflag:$0x2] =	stream.indirect_vreg.gather [hbm4b:s4+s3], $0x80, v4, vm0, $0xb8;
	[tilespmem:$0x18100] =	vst v63  }
0x9a: {  	_ = 	snop  }
0x9b: {  	[tilespmem:s14], [sflag:$0x2] =	stream.indirect_vreg.gather [hbm4b:s5+s3], $0x80, v4, vm0, $0xb8;
	[tilespmem:$0x18100] =	vst v63  }
0x9c: {  	_ = 	snop  }
0x9d: {  	[tilespmem:s15], [sflag:$0x2] =	stream.indirect_vreg.gather [hbm4b:s1+s3], $0x80, v3, vm0, $0xb8;
	[tilespmem:$0x18100] =	vst v63  }
0x9e: {  	_ = 	snop  }
0x9f: {  	[tilespmem:s16], [sflag:$0x2] =	stream.indirect_vreg.gather [hbm4b:s4+s3], $0x80, v3, vm0, $0xb8;
	[tilespmem:$0x18100] =	vst v63  }
0xa0: {  	_ = 	snop  }
0xa1: {  	[tilespmem:s17], [sflag:$0x2] =	stream.indirect_vreg.gather [hbm4b:s5+s3], $0x80, v3, vm0, $0xb8;
	[tilespmem:$0x18100] =	vst v63  }
0xa2: {  	v3 =	vld [tilespmem:$0xA0];
	_ =	sdelay $0x4  }
0xa3: {  	v62 =	vshrl.u32 v3, $0x3  }
0xa4: {  	v4 =	vmul.u32 $0x30, v62  }
0xa5: {  	v3 =	vand.u32 $0x7, v3  }
0xa6: {  	v3 =	vor.u32 v3, v4  }
0xa7: {  	v4 =	vperm.xlane v3, v0;
	_ =	sdelay $0x1  }
0xa8: {  	v4 =	vadd.s32 v1, v4;
	_ =	sdelay $0x3  }
0xa9: {  	v3 =	vperm.xlane v3, v2  }
0xaa: {  	[tilespmem:s18], [sflag:$0x2] =	stream.indirect_vreg.gather [hbm4b:s1+s3], $0x80, v4, vm0, $0xb8;
	[tilespmem:$0x18100] =	vst v63  }
0xab: {  	v3 =	vadd.s32 v1, v3  }
0xac: {  	[tilespmem:s19], [sflag:$0x2] =	stream.indirect_vreg.gather [hbm4b:s4+s3], $0x80, v4, vm0, $0xb8;
	[tilespmem:$0x18100] =	vst v63  }
0xad: {  	_ = 	snop  }
0xae: {  	[tilespmem:s20], [sflag:$0x2] =	stream.indirect_vreg.gather [hbm4b:s5+s3], $0x80, v4, vm0, $0xb8;
	[tilespmem:$0x18100] =	vst v63  }
0xaf: {  	_ = 	snop  }
0xb0: {  	[tilespmem:s21], [sflag:$0x2] =	stream.indirect_vreg.gather [hbm4b:s1+s3], $0x80, v3, vm0, $0xb8;
	[tilespmem:$0x18100] =	vst v63  }
0xb1: {  	_ = 	snop  }
0xb2: {  	[tilespmem:s22], [sflag:$0x2] =	stream.indirect_vreg.gather [hbm4b:s4+s3], $0x80, v3, vm0, $0xb8;
	[tilespmem:$0x18100] =	vst v63  }
0xb3: {  	_ = 	snop  }
0xb4: {  	[tilespmem:s23], [sflag:$0x2] =	stream.indirect_vreg.gather [hbm4b:s5+s3], $0x80, v3, vm0, $0xb8;
	[tilespmem:$0x18100] =	vst v63  }
0xb5: {  	v3 =	vld [tilespmem:$0xB0];
	_ =	sdelay $0x4  }
0xb6: {  	v63 =	vshrl.u32 v3, $0x3  }
0xb7: {  	v4 =	vmul.u32 $0x30, v63  }
0xb8: {  	v3 =	vand.u32 $0x7, v3  }
0xb9: {  	v3 =	vor.u32 v3, v4  }
0xba: {  	v4 =	vperm.xlane v3, v0;
	_ =	sdelay $0x1  }
0xbb: {  	v4 =	vadd.s32 v1, v4;
	_ =	sdelay $0x3  }
0xbc: {  	v3 =	vperm.xlane v3, v2  }
0xbd: {  	[tilespmem:s24], [sflag:$0x2] =	stream.indirect_vreg.gather [hbm4b:s1+s3], $0x80, v4, vm0, $0xb8;
	[tilespmem:$0x18100] =	vst v63  }
0xbe: {  	v3 =	vadd.s32 v1, v3  }
0xbf: {  	[tilespmem:s25], [sflag:$0x2] =	stream.indirect_vreg.gather [hbm4b:s4+s3], $0x80, v4, vm0, $0xb8;
	[tilespmem:$0x18100] =	vst v63  }
0xc0: {  	_ = 	snop  }
0xc1: {  	[tilespmem:s26], [sflag:$0x2] =	stream.indirect_vreg.gather [hbm4b:s5+s3], $0x80, v4, vm0, $0xb8;
	[tilespmem:$0x18100] =	vst v63  }
0xc2: {  	_ = 	snop  }
0xc3: {  	[tilespmem:s28], [sflag:$0x2] =	stream.indirect_vreg.gather [hbm4b:s1+s3], $0x80, v3, vm0, $0xb8;
	[tilespmem:$0x18100] =	vst v63  }
0xc4: {  	_ = 	snop  }
0xc5: {  	[tilespmem:s29], [sflag:$0x2] =	stream.indirect_vreg.gather [hbm4b:s4+s3], $0x80, v3, vm0, $0xb8;
	[tilespmem:$0x18100] =	vst v63  }
0xc6: {  	_ = 	snop  }
0xc7: {  	[tilespmem:s30], [sflag:$0x2] =	stream.indirect_vreg.gather [hbm4b:s5+s3], $0x80, v3, vm0, $0xb8;
	[tilespmem:$0x18100] =	vst v63  }
0xc8: {  	_ =	swait.ge [sflag:s31], $0xC000  }
0xc9: {  	[sflag:s31] =	ssyncset.done $0x0  }
0xca: {  	s10 =	rddreg [dreg:$0x5];
	[sflag:s31] =	ssyncadd.s32 $0xFFFF4000  }
0xcb: {  	[hbm4b:s10+s3] =	stream.linear.scatter [tilespmem:s8], [sflag:$0x3], $0xC000, $0x38;
	[tilespmem:$0x18100] =	vst v63  }
0xcc: {  	_ =	swait.ge [sflag:s7], $0xC000  }
0xcd: {  	[sflag:s7] =	ssyncset.done $0x0  }
0xce: {  	[sflag:s7] =	ssyncadd.s32 $0xFFFF4000  }
0xcf: {  	_ =	swait.ge [sflag:s0], $0xC000  }
0xd0: {  	p0 =	sne.s32 s6, $0x1;
	[sflag:s0] =	ssyncset.done $0x0  }
.Ltmp0:
0xd1: {  	s10 =	rddreg [dreg:$0x6];
	[sflag:s0] =	ssyncadd.s32 $0xFFFF4000;
	(pc) =	sbr.rel @p0 .LBB2_1-.Ltmp0, $4  }
0xd2: {  	[hbm4b:s10+s3] =	stream.linear.scatter [tilespmem:s9], [sflag:$0x3], $0xC000, $0x38;
	[tilespmem:$0x18100] =	vst v63  }
0xd3: {  	_ =	swait.ge [sflag:s7], $0xC000  }
0xd4: {  	[sflag:s7] =	ssyncset.done $0x0  }
0xd5: {  	s6 =	sadd.s32 $0xFFFFFFFF, s6;
	[sflag:s7] =	ssyncadd.s32 $0xFFFF4000  }
0xd6: {  	_ =	sfence.sel $0x180000  }
0xd7: {  	[bflag:$0x0] =	sbarrier.arrive $0xFFFF  }
0xd8: {  	_ =	strace $0x9000004A  }
0xd9: {  	s0 =	stileid.u32;
	[bflag:$0x2] =	sbarrier.arrive $0xFFFF  }
0xda: {  	p0 =	sne.s32 s0, $0x0;
	s0 =	rddreg [dreg:$0x2]  }
0xdb: {  	s0 =	sadd.s32 @!p0 $0x100000, s0  }
0xdc: {  	[sflag:s0] =	ssyncadd.tile.s32 @!p0 $0x1;
	_ =	shalt  }
.Lfunc_end2:
_tile_overlayer_lowered:
.L_overlay_start_2:
0xdd: {  	(tag) =	ssettag $0x2  }
0xde: {  	s0 =	rddreg [dreg:$0x0];
	s2 =	stileid.u32  }
0xdf: {  	s1 =	rddreg [dreg:$0x1];
	p0 =	sne.s32 s2, $0x0  }
0xe0: {  	s3 =	rddreg [dreg:$0x2];
	[bflag:$0x3] =	sbarrier.arrive $0xFFFF;
	s2 =	simm.s32 @!p0 $0x1C03  }
0xe1: {  	[timem:s3], [sflag:s2] =	dma.local @!p0 [hbm:s0], s1  }
0xe2: {  	s0 =	simm.s32 @!p0 $0x3  }
0xe3: {  	_ =	swait.ge @!p0 [sflag:s0], s1  }
0xe4: {  	s1 =	ssub.s32 @!p0 $0x0, s1;
	[sflag:s0] =	ssyncset.done @!p0 $0x0  }
0xe5: {  	[sflag:s0] =	ssyncadd.s32 @!p0 s1  }
0xe6: {  	[bflag:$0x3] =	sbarrier.arrive $0xFFFF  }
0xe7: {  	_ =	shalt  }

// kernel: kernel.13.cloned.1.call-start
scs
__scs_entry_jumppad:
0x0: {  	(pc) =	sbr.rel $0x88, $3  }
0x1: {  	(tag) =	ssettag $0x0;
	lr =	simm.s32 $0x1  }
0x2: {  	[smem:$0x3F9C] =	sst lr;
	_ =	strace $0xD0000000  }
0x3: {  	_ = 	snop  }
0x4: {  	_ = 	snop  }
0x5: {  	_ = 	snop  }
0x6: {  	_ = 	snop  }
0x7: {  	_ = 	snop  }
__scs_overlays_trampoline_lowered:
0x8: {  	[smem:$0x3FAB] =	sst s0  }
0x9: {  	[smem:$0x3FAC] =	sst s1  }
0xa: {  	[smem:$0x3FAD] =	sst s2  }
0xb: {  	[smem:$0x3FAE] =	sst s3  }
0xc: {  	[smem:$0x3FAF] =	sst s4  }
0xd: {  	[smem:$0x3FB0] =	sst s5  }
0xe: {  	[smem:$0x3FB1] =	sst s6  }
0xf: {  	[smem:$0x3FB2] =	sst s7  }
0x10: {  	[smem:$0x3FB3] =	sst s8  }
0x11: {  	[smem:$0x3FB4] =	sst s9;
	s0 =	simm.s32 @!p0 $0x0  }
0x12: {  	s1 =	sld [smem:$0x3F9A];
	s0 =	simm.s32 @p0 $0x1  }
0x13: {  	[smem:$0x3FB5] =	sst s0;
	s0 =	simm.s32 @!p1 $0x0  }
0x14: {  	s2 =	sld [smem:$0x3F99];
	s0 =	simm.s32 @p1 $0x1  }
0x15: {  	[smem:$0x3FB6] =	sst s0;
	s0 =	simm.s32 @!p2 $0x0  }
0x16: {  	s3 =	sld [smem:$0x3FDB];
	s0 =	simm.s32 @p2 $0x1  }
0x17: {  	s4 =	simm.s32 $0x1BF5;
	[smem:$0x3FB8] =	sst s0  }
0x18: {  	s0 =	sld [smem:$0x3F9B];
	_ =	swait.ge [sflag:s4], $0x0  }
0x19: {  	s7 =	sld [smem:$0x3F9C]  }
0x1a: {  	s8 =	sadd.s32 $0xFFFFE003, lr  }
0x1b: {  	s9 =	sadd.s32 $0xFFFFFEF7, lr;
	s5 =	simm.s32 $0xFFFFFFFF;
	p2 =	slt.u32 s8, $0xFFFFF086  }
0x1c: {  	p1 =	slt.u32 s9, $0xF7A;
	s5 =	simm.s32 @!p2 $0x0  }
0x1d: {  	s5 =	simm.s32 @p1 $0x1;
	p0 =	seq.s32 s7, s2  }
0x1e: {  	s7 =	smul.u32 @!p0 $0xF7A, s2;
	p2 =	seq.s32 @!p0 s5, $0x0  }
0x1f: {  	s9 =	smul.u32 $0xF7A, s1;
	s8 =	simm.s32 @!p0 $0x1BF5;
	p2 =	por !p2, p0  }
0x20: {  	[sflag:s8] =	ssyncset.s32 @!p0 $0xFFFFF086;
	s6 =	sadd.s32 @!p0 s3, s7;
	s7 =	simm.s32 @!p0 $0x108  }
0x21: {  	s3 =	sadd.s32 s3, s9;
	s6 =	sadd.s32 @!p0 $0x88, s6;
	s7 =	simm.s32 @p2 $0x1082  }
0x22: {  	[simem:s7], [sflag:s8] =	dma.local @!p0 [hbm:s6], $0xF7A  }
0x23: {  	s9 =	sor.u32 $0xD0000000, s2;
	s6 =	simm.s32 $0x108;
	_ =	swait.ge @!p0 [sflag:s8], $0x0  }
0x24: {  	s3 =	sadd.s32 $0x88, s3;
	s6 =	simm.s32 @!p1 $0x1082;
	[sflag:s4] =	ssyncset.s32 $0xFFFFF086  }
0x25: {  	[simem:s6], [sflag:s4] =	dma.local [hbm:s3], $0xF7A  }
0x26: {  	[smem:$0x3F9C] =	sst s1;
	(tag) =	ssettag s2;
	_ =	strace s9  }
0x27: {  	s1 =	sld [smem:$0x3FAC]  }
0x28: {  	s2 =	sld [smem:$0x3FAD]  }
0x29: {  	s4 =	sld [smem:$0x3FAF]  }
0x2a: {  	p0 =	seq.s32 s5, $0x0;
	s5 =	sld [smem:$0x3FB0]  }
0x2b: {  	s6 =	sld [smem:$0x3FB1]  }
0x2c: {  	s7 =	sld [smem:$0x3FB2]  }
0x2d: {  	s3 =	simm.s32 $0x108;
	s8 =	sld [smem:$0x3FB3]  }
0x2e: {  	s3 =	simm.s32 @!p0 $0x1082;
	s9 =	sld [smem:$0x3FB4]  }
0x2f: {  	lr =	sadd.s32 s0, s3;
	s0 =	sld [smem:$0x3FAB]  }
0x30: {  	s3 =	sld [smem:$0x3FAE]  }
0x31: {  	[smem:$0x3FB7] =	sst s10  }
0x32: {  	s10 =	sld [smem:$0x3FB5];
	_ =	sdelay $0x3  }
0x33: {  	p0 =	seq.s32 s10, $0x1;
	s10 =	sld [smem:$0x3FB7];
	_ =	sdelay $0x3  }
0x34: {  	[smem:$0x3FB7] =	sst s10  }
0x35: {  	s10 =	sld [smem:$0x3FB6];
	_ =	sdelay $0x3  }
0x36: {  	p1 =	seq.s32 s10, $0x1;
	s10 =	sld [smem:$0x3FB7];
	_ =	sdelay $0x3  }
0x37: {  	[smem:$0x3FB7] =	sst s10  }
0x38: {  	s10 =	sld [smem:$0x3FB8]  }
0x39: {  	_ = 	snop;
	(pc) =	sbr.ind lr, $3  }
0x3a: {  	_ = 	snop  }
0x3b: {  	_ = 	snop  }
0x3c: {  	p2 =	seq.s32 s10, $0x1;
	s10 =	sld [smem:$0x3FB7]  }
0x3d: {  	_ =	shalt  }
0x3e: {  	_ =	shalt  }
0x3f: {  	_ =	shalt  }
0x40: {  	_ =	shalt  }
0x41: {  	_ =	shalt  }
0x42: {  	_ =	shalt  }
0x43: {  	_ =	shalt  }
0x44: {  	_ =	shalt  }
0x45: {  	_ =	shalt  }
0x46: {  	_ =	shalt  }
0x47: {  	_ =	shalt  }
0x48: {  	_ =	shalt  }
0x49: {  	_ =	shalt  }
0x4a: {  	_ =	shalt  }
0x4b: {  	_ =	shalt  }
0x4c: {  	_ =	shalt  }
0x4d: {  	_ =	shalt  }
0x4e: {  	_ =	shalt  }
0x4f: {  	_ =	shalt  }
0x50: {  	_ =	shalt  }
0x51: {  	_ =	shalt  }
0x52: {  	_ =	shalt  }
0x53: {  	_ =	shalt  }
0x54: {  	_ =	shalt  }
0x55: {  	_ =	shalt  }
0x56: {  	_ =	shalt  }
0x57: {  	_ =	shalt  }
0x58: {  	_ =	shalt  }
0x59: {  	_ =	shalt  }
0x5a: {  	_ =	shalt  }
0x5b: {  	_ =	shalt  }
0x5c: {  	_ =	shalt  }
0x5d: {  	_ =	shalt  }
0x5e: {  	_ =	shalt  }
0x5f: {  	_ =	shalt  }
0x60: {  	_ =	shalt  }
0x61: {  	_ =	shalt  }
0x62: {  	_ =	shalt  }
0x63: {  	_ =	shalt  }
0x64: {  	_ =	shalt  }
0x65: {  	_ =	shalt  }
0x66: {  	_ =	shalt  }
0x67: {  	_ =	shalt  }
0x68: {  	_ =	shalt  }
0x69: {  	_ =	shalt  }
0x6a: {  	_ =	shalt  }
0x6b: {  	_ =	shalt  }
0x6c: {  	_ =	shalt  }
0x6d: {  	_ =	shalt  }
0x6e: {  	_ =	shalt  }
0x6f: {  	_ =	shalt  }
0x70: {  	_ =	shalt  }
0x71: {  	_ =	shalt  }
0x72: {  	_ =	shalt  }
0x73: {  	_ =	shalt  }
0x74: {  	_ =	shalt  }
0x75: {  	_ =	shalt  }
0x76: {  	_ =	shalt  }
0x77: {  	_ =	shalt  }
0x78: {  	_ =	shalt  }
0x79: {  	_ =	shalt  }
0x7a: {  	_ =	shalt  }
0x7b: {  	_ =	shalt  }
0x7c: {  	_ =	shalt  }
0x7d: {  	_ =	shalt  }
0x7e: {  	_ =	shalt  }
0x7f: {  	_ =	shalt  }
0x80: {  	_ =	shalt  }
0x81: {  	_ =	shalt  }
0x82: {  	_ =	shalt  }
0x83: {  	_ =	shalt  }
0x84: {  	_ =	shalt  }
0x85: {  	_ =	shalt  }
0x86: {  	_ =	shalt  }
0x87: {  	_ =	shalt  }
.Lfunc_end0:
.L_simem_size_0:
called_computation.2_lowered:
.L_overlay_start_0:
0x88: {  	s2 =	sld [smem:$0x3FD9]  }
0x89: {  	s3 =	sld [smem:$0x3FFE];
	_ =	sdelay $0x1  }
0x8a: {  	s1 =	srdreg.scid  }
0x8b: {  	s0 =	sand.u32 $0x1, s1  }
0x8c: {  	s17 =	sshll.u32 s0, $0xA;
	s2 =	sadd.s32 s3, s2  }
0x8d: {  	s2 =	sadd.s32 s2, s17  }
0x8e: {  	[smem:$0x3FC3] =	sst s2  }
0x8f: {  	_ = 	snop  }
0x90: {  	s2 =	sld [smem:$0x3FD0];
	(tm) =	ssettm $0x1  }
0x91: {  	s18 =	sld [smem:$0x3FFB];
	_ =	sdelay $0x3  }
0x92: {  	_ =	strace s18  }
0x93: {  	s3 =	sld [smem:$0x3FFC];
	_ =	sdelay $0x3  }
0x94: {  	_ =	strace s3  }
0x95: {  	s3 =	sld [smem:$0x3FFD];
	_ =	sdelay $0x3  }
0x96: {  	_ =	strace s3  }
0x97: {  	_ =	strace $0x8FFFFFFF  }
0x98: {  	s19 =	sld [smem:$0x3FDB];
	_ =	sdelay $0x1  }
0x99: {  	s4 =	simm.s32 $_scs_section_size  }
0x9a: {  	s5 =	simm.s32 $_size__tile_overlayer_lowered;
	s6 =	simm.s32 $_tile_overlayer_lowered  }
0x9b: {  	s22 =	simm.s32 $0x1BFF;
	s21 =	sshll.u32 s6, $0x1;
	s3 =	sadd.s32 s4, s19  }
0x9c: {  	s7 =	simm.s32 $0x0;
	s20 =	sshll.u32 s5, $0x1;
	s5 =	sadd.s32 s21, s3  }
0x9d: {  	[timem:s7], [sflag:s22] =	dma.local [hbm:s5], s20  }
0x9e: {  	_ =	swait.ge [sflag:s22], s20  }
0x9f: {  	s4 =	ssub.s32 $0x0, s20;
	[sflag:s22] =	ssyncset.done $0x0  }
0xa0: {  	[sflag:s22] =	ssyncadd.s32 s4;
	_ =	sdelay $0x1  }
0xa1: {  	s23 =	simm.s32 $0x1B8B  }
0xa2: {  	_ =	swait.ge [sflag:s23], $0x1  }
0xa3: {  	[sflag:s23] =	ssyncset.done $0x0  }
0xa4: {  	s25 =	simm.s32 $0x1B8E;
	s24 =	sld [smem:$0x3FFE];
	[sflag:s23] =	ssyncadd.s32 $0xFFFFFFFF  }
0xa5: {  	s26 =	simm.s32 $execute0_lowered;
	[smem:$0x3FD2] =	sst s25  }
0xa6: {  	s5 =	sshll.u32 s26, $0x1;
	_ =	strace $0x8000004C;
	[dreg:$0x1] =	wrdreg $0xFFFFFFFF  }
0xa7: {  	s28 =	simm.s32 $_size_execute0_lowered;
	s3 =	sadd.s32 s3, s5;
	[dreg:$0x0] =	wrdreg $0x0  }
0xa8: {  	s5 =	sshll.u32 s28, $0x1;
	[dreg:$0x2] =	wrdreg s3  }
0xa9: {  	[dreg:$0x3] =	wrdreg s5  }
0xaa: {  	[dreg:$0x4] =	wrdreg $0xC0  }
0xab: {  	_ =	task [dreg:s7], $0x5FFFF  }
0xac: {  	[dreg:$0x1] =	wrdreg $0xFFFFFFFF  }
0xad: {  	[dreg:$0x0] =	wrdreg $0x60  }
0xae: {  	[dreg:$0x2] =	wrdreg s2  }
0xaf: {  	[dreg:$0x3] =	wrdreg s24  }
0xb0: {  	[dreg:$0x4] =	wrdreg $0x9  }
0xb1: {  	_ =	task.clear_ibuf [dreg:s7], $0x5FFFF;
	_ =	strace $0x9000004C  }
0xb2: {  	s29 =	simm.s32 $0x9;
	_ =	strace $0x8000004E  }
0xb3: {  	_ =	swait.ge [sflag:s29], $0x1  }
0xb4: {  	[sflag:s29] =	ssyncadd.s32 $0xFFFFFFFF  }
0xb5: {  	_ =	strace $0x9000004E  }
0xb6: {  	_ =	sfence  }
0xb7: {  	s30 =	sld [smem:$0x0];
	_ =	sdelay $0x2  }
0xb8: {  	s31 =	sshll.u32 s1, $0xD;
	s1 =	sshrl.u32 s1, $0x2  }
0xb9: {  	s3 =	sand.u32 $0x4000, s31;
	s1 =	sadd.s32 s1, s30  }
0xba: {  	s0 =	sor.u32 s3, s0;
	s1 =	sshll.u32 s1, $0x11  }
0xbb: {  	s0 =	sor.u32 s1, s0  }
0xbc: {  	s0 =	sadd.s32 $0x8F2B, s0  }
0xbd: {  	[sflag:s0] =	ssyncadd.remote.s32 $0x1  }
0xbe: {  	_ =	sfence.sel $0xFFFF  }
0xbf: {  	[dreg:$0x0] =	wrdreg $0xFFFFFFFF;
	(pc) =	sbr.abs _section_cstart, $3  }
0xc0: {  	[dreg:$0x1] =	wrdreg $0xFFFFFFFF  }
0xc1: {  	_ =	task.clear_ibuf [dreg:s7], $0x2FFFF;
	_ =	strace $0x9FFFFFFF  }
0xc2: {  	(tm) =	ssettm $0x7FFFFFFF  }
0xc3: {  	_ =	shalt  }
tec
execute0_lowered:
.L_overlay_start_1:
0x0: {  	(tag) =	ssettag $0x1  }
0x1: {  	s1 =	srdreg.scid  }
0x2: {  	s0 =	stileid.u32;
	s1 =	sand.u32 $0x1, s1  }
0x3: {  	s2 =	rddreg [dreg:$0x0];
	s3 =	sshll.u32 s0, $0x5;
	s4 =	sshll.u32 s1, $0x4  }
0x4: {  	s5 =	rddreg [dreg:$0x1];
	s4 =	sor.u32 s4, s3;
	s3 =	simm.s32 $0x0  }
0x5: {  	s25 =	simm.s32 $0x880;
	[smem:$0x7FF] =	sst s3  }
0x6: {  	s26 =	simm.s32 $0x1080;
	_ =	strace $0x8000004D;
	[dreg:$0x5] =	wrdreg s25  }
0x7: {  	s0 =	simm.s32 $0x1880;
	[dreg:$0x6] =	wrdreg s26  }
0x8: {  	s7 =	simm.s32 $0x3080;
	[dreg:$0x7] =	wrdreg s0  }
0x9: {  	s8 =	simm.s32 $0x3880;
	[dreg:$0xa] =	wrdreg s7  }
0xa: {  	s9 =	simm.s32 $0x4080;
	[dreg:$0xb] =	wrdreg s8  }
0xb: {  	s10 =	simm.s32 $0x4880;
	[dreg:$0xc] =	wrdreg s9  }
0xc: {  	s11 =	simm.s32 $0x5080;
	[dreg:$0xd] =	wrdreg s10  }
0xd: {  	s12 =	simm.s32 $0x5880;
	s13 =	simm.s32 $0x6080;
	[dreg:$0xe] =	wrdreg s11  }
0xe: {  	s14 =	simm.s32 $0x6880;
	s15 =	simm.s32 $0x7080;
	[dreg:$0xf] =	wrdreg s12  }
0xf: {  	s16 =	simm.s32 $0x7880;
	s17 =	simm.s32 $0x8080;
	[dreg:$0x10] =	wrdreg s13  }
0x10: {  	s18 =	simm.s32 $0x8880;
	s19 =	simm.s32 $0x9080;
	[dreg:$0x11] =	wrdreg s14  }
0x11: {  	s21 =	simm.s32 $0x9880;
	s22 =	simm.s32 $0xA080;
	[dreg:$0x12] =	wrdreg s15  }
0x12: {  	s23 =	simm.s32 $0xA880;
	s28 =	simm.s32 $0x16080;
	[dreg:$0x13] =	wrdreg s16  }
0x13: {  	s29 =	simm.s32 $0x16880;
	s30 =	simm.s32 $0x17080;
	[dreg:$0x14] =	wrdreg s17  }
0x14: {  	s31 =	simm.s32 $0x17880;
	s1 =	ssub.s32 $0x2, s1;
	[dreg:$0x15] =	wrdreg s18  }
0x15: {  	s20 =	sshrl.u32 s1, $0x1;
	s6 =	smul.u32 $0x300, s4;
	[dreg:$0x16] =	wrdreg s19  }
0x16: {  	s4 =	sadd.s32 s4, s5;
	s1 =	ssub.s32 s1, s20;
	[dreg:$0x17] =	wrdreg s21  }
0x17: {  	s20 =	simm.s32 $0x12880;
	s4 =	sadd.s32 $0x4200, s4;
	[dreg:$0x18] =	wrdreg s22  }
0x18: {  	[dreg:$0x19] =	wrdreg s23;
	s7 =	simm.s32 $0xB080;
	s25 =	simm.s32 $0xC080  }
0x19: {  	s8 =	simm.s32 $0x80;
	s26 =	simm.s32 $0xC880;
	s10 =	simm.s32 $0xD880  }
0x1a: {  	s11 =	simm.s32 $0xE080;
	s12 =	simm.s32 $0xE880;
	s13 =	simm.s32 $0xF080  }
0x1b: {  	s14 =	simm.s32 $0xF880;
	s15 =	simm.s32 $0x10080;
	s16 =	simm.s32 $0x10880  }
0x1c: {  	s17 =	simm.s32 $0x11080;
	s18 =	simm.s32 $0x11880;
	s19 =	simm.s32 $0x12080  }
0x1d: {  	s21 =	simm.s32 $0x13080;
	s22 =	simm.s32 $0x13880;
	[dreg:$0x3] =	wrdreg s4  }
0x1e: {  	s23 =	simm.s32 $0x14080;
	s5 =	sadd.s32 s6, s5;
	[dreg:$0x1a] =	wrdreg s7  }
0x1f: {  	s6 =	simm.s32 $0x2880;
	s4 =	sadd.s32 $0x100, s2;
	[dreg:$0x1c] =	wrdreg s25  }
0x20: {  	s7 =	simm.s32 $0x2;
	[dreg:$0x1d] =	wrdreg s26;
	s25 =	simm.s32 $0x15080  }
0x21: {  	s26 =	simm.s32 $0x15880;
	s24 =	sadd.s32 $0x4400, s5;
	[dreg:$0x9] =	wrdreg s6  }
0x22: {  	v2 =	vlaneseq.u32;
	s5 =	simm.s32 $0x2080;
	s6 =	smax.u32 s1, $0x1;
	[dreg:$0x4] =	wrdreg s24  }
0x23: {  	vm0 =	vmmov $0xffff;
	v1 =	vshrl.u32 v2, $0x3;
	s1 =	simm.s32 $0x1;
	[dreg:$0x8] =	wrdreg s5;
	s24 =	simm.s32 $0xB880  }
0x24: {  	v0 =	vand.u32 $0x7, v2;
	v2 =	vor.u32 $0x8, v2;
	v1 =	vmul.u32 $0x8, v1;
	s5 =	sadd.s32 $0x200, s2;
	[dreg:$0x1b] =	wrdreg s24;
	s24 =	simm.s32 $0x14880  }
.LBB2_1:
0x25: {  	s0 =	rddreg [dreg:$0x3]  }
0x26: {  	[tilespmem:s3], [sflag:$0x2] =	stream.linear.gather [hbm4b:s0+s3], $0x80, $0x38;
	[tilespmem:$0x18080] =	vst v63  }
0x27: {  	_ =	swait.ge [sflag:s7], $0x80  }
0x28: {  	[sflag:s7] =	ssyncset.done $0x0  }
0x29: {  	s9 =	rddreg [dreg:$0x4];
	[sflag:s7] =	ssyncadd.s32 $0xFFFFFF80  }
0x2a: {  	[tilespmem:s8], [sflag:$0x2] =	stream.linear.gather [hbm4b:s9+s3], $0x18000, $0x38;
	[tilespmem:$0x18080] =	vst v63  }
0x2b: {  	_ =	swait.ge [sflag:s7], $0x18000  }
0x2c: {  	[sflag:s7] =	ssyncset.done $0x0  }
0x2d: {  	[sflag:s7] =	ssyncadd.s32 $0xFFFE8000  }
0x2e: {  	v3 =	vld [tilespmem:$0x0];
	_ =	sdelay $0x4  }
0x2f: {  	v4 =	vshrl.u32 v3, $0x3  }
0x30: {  	v4 =	vmul.u32 $0x30, v4  }
0x31: {  	v3 =	vand.u32 $0x7, v3  }
0x32: {  	v3 =	vor.u32 v3, v4  }
0x33: {  	v4 =	vperm.xlane v3, v0;
	_ =	sdelay $0x1  }
0x34: {  	v4 =	vadd.s32 v1, v4;
	_ =	sdelay $0x3  }
0x35: {  	v3 =	vperm.xlane v3, v2  }
0x36: {  	[hbm4b:s2+s3] =	stream.indirect_vreg.scatter [tilespmem:s8], [sflag:$0x1], $0x80, v4, vm0, $0xb8;
	[tilespmem:$0x18080] =	vst v63  }
0x37: {  	s0 =	rddreg [dreg:$0x5];
	v3 =	vadd.s32 v1, v3  }
0x38: {  	[hbm4b:s4+s3] =	stream.indirect_vreg.scatter [tilespmem:s0], [sflag:$0x1], $0x80, v4, vm0, $0xb8;
	[tilespmem:$0x18080] =	vst v63  }
0x39: {  	s9 =	rddreg [dreg:$0x6]  }
0x3a: {  	[hbm4b:s5+s3] =	stream.indirect_vreg.scatter [tilespmem:s9], [sflag:$0x1], $0x80, v4, vm0, $0xb8;
	[tilespmem:$0x18080] =	vst v63  }
0x3b: {  	s0 =	rddreg [dreg:$0x7]  }
0x3c: {  	[hbm4b:s2+s3] =	stream.indirect_vreg.scatter [tilespmem:s0], [sflag:$0x1], $0x80, v3, vm0, $0xb8;
	[tilespmem:$0x18080] =	vst v63  }
0x3d: {  	s9 =	rddreg [dreg:$0x8]  }
0x3e: {  	[hbm4b:s4+s3] =	stream.indirect_vreg.scatter [tilespmem:s9], [sflag:$0x1], $0x80, v3, vm0, $0xb8;
	[tilespmem:$0x18080] =	vst v63  }
0x3f: {  	s0 =	rddreg [dreg:$0x9]  }
0x40: {  	[hbm4b:s5+s3] =	stream.indirect_vreg.scatter [tilespmem:s0], [sflag:$0x1], $0x80, v3, vm0, $0xb8;
	[tilespmem:$0x18080] =	vst v63  }
0x41: {  	v3 =	vld [tilespmem:$0x10];
	_ =	sdelay $0x4  }
0x42: {  	v57 =	vshrl.u32 v3, $0x3  }
0x43: {  	v4 =	vmul.u32 $0x30, v57  }
0x44: {  	v3 =	vand.u32 $0x7, v3  }
0x45: {  	v3 =	vor.u32 v3, v4  }
0x46: {  	v4 =	vperm.xlane v3, v0;
	_ =	sdelay $0x1  }
0x47: {  	v4 =	vadd.s32 v1, v4;
	_ =	sdelay $0x3  }
0x48: {  	s0 =	rddreg [dreg:$0xa];
	v3 =	vperm.xlane v3, v2  }
0x49: {  	[hbm4b:s2+s3] =	stream.indirect_vreg.scatter [tilespmem:s0], [sflag:$0x1], $0x80, v4, vm0, $0xb8;
	[tilespmem:$0x18080] =	vst v63  }
0x4a: {  	s9 =	rddreg [dreg:$0xb];
	v3 =	vadd.s32 v1, v3  }
0x4b: {  	[hbm4b:s4+s3] =	stream.indirect_vreg.scatter [tilespmem:s9], [sflag:$0x1], $0x80, v4, vm0, $0xb8;
	[tilespmem:$0x18080] =	vst v63  }
0x4c: {  	s0 =	rddreg [dreg:$0xc]  }
0x4d: {  	[hbm4b:s5+s3] =	stream.indirect_vreg.scatter [tilespmem:s0], [sflag:$0x1], $0x80, v4, vm0, $0xb8;
	[tilespmem:$0x18080] =	vst v63  }
0x4e: {  	s9 =	rddreg [dreg:$0xd]  }
0x4f: {  	[hbm4b:s2+s3] =	stream.indirect_vreg.scatter [tilespmem:s9], [sflag:$0x1], $0x80, v3, vm0, $0xb8;
	[tilespmem:$0x18080] =	vst v63  }
0x50: {  	s0 =	rddreg [dreg:$0xe]  }
0x51: {  	[hbm4b:s4+s3] =	stream.indirect_vreg.scatter [tilespmem:s0], [sflag:$0x1], $0x80, v3, vm0, $0xb8;
	[tilespmem:$0x18080] =	vst v63  }
0x52: {  	s9 =	rddreg [dreg:$0xf]  }
0x53: {  	[hbm4b:s5+s3] =	stream.indirect_vreg.scatter [tilespmem:s9], [sflag:$0x1], $0x80, v3, vm0, $0xb8;
	[tilespmem:$0x18080] =	vst v63  }
0x54: {  	v3 =	vld [tilespmem:$0x20];
	_ =	sdelay $0x4  }
0x55: {  	v58 =	vshrl.u32 v3, $0x3  }
0x56: {  	v4 =	vmul.u32 $0x30, v58  }
0x57: {  	v3 =	vand.u32 $0x7, v3  }
0x58: {  	v3 =	vor.u32 v3, v4  }
0x59: {  	v4 =	vperm.xlane v3, v0;
	_ =	sdelay $0x1  }
0x5a: {  	v4 =	vadd.s32 v1, v4;
	_ =	sdelay $0x3  }
0x5b: {  	s0 =	rddreg [dreg:$0x10];
	v3 =	vperm.xlane v3, v2  }
0x5c: {  	[hbm4b:s2+s3] =	stream.indirect_vreg.scatter [tilespmem:s0], [sflag:$0x1], $0x80, v4, vm0, $0xb8;
	[tilespmem:$0x18080] =	vst v63  }
0x5d: {  	s9 =	rddreg [dreg:$0x11];
	v3 =	vadd.s32 v1, v3  }
0x5e: {  	[hbm4b:s4+s3] =	stream.indirect_vreg.scatter [tilespmem:s9], [sflag:$0x1], $0x80, v4, vm0, $0xb8;
	[tilespmem:$0x18080] =	vst v63  }
0x5f: {  	s0 =	rddreg [dreg:$0x12]  }
0x60: {  	[hbm4b:s5+s3] =	stream.indirect_vreg.scatter [tilespmem:s0], [sflag:$0x1], $0x80, v4, vm0, $0xb8;
	[tilespmem:$0x18080] =	vst v63  }
0x61: {  	s9 =	rddreg [dreg:$0x13]  }
0x62: {  	[hbm4b:s2+s3] =	stream.indirect_vreg.scatter [tilespmem:s9], [sflag:$0x1], $0x80, v3, vm0, $0xb8;
	[tilespmem:$0x18080] =	vst v63  }
0x63: {  	s0 =	rddreg [dreg:$0x14]  }
0x64: {  	[hbm4b:s4+s3] =	stream.indirect_vreg.scatter [tilespmem:s0], [sflag:$0x1], $0x80, v3, vm0, $0xb8;
	[tilespmem:$0x18080] =	vst v63  }
0x65: {  	s9 =	rddreg [dreg:$0x15]  }
0x66: {  	[hbm4b:s5+s3] =	stream.indirect_vreg.scatter [tilespmem:s9], [sflag:$0x1], $0x80, v3, vm0, $0xb8;
	[tilespmem:$0x18080] =	vst v63  }
0x67: {  	v3 =	vld [tilespmem:$0x30];
	_ =	sdelay $0x4  }
0x68: {  	v59 =	vshrl.u32 v3, $0x3  }
0x69: {  	v4 =	vmul.u32 $0x30, v59  }
0x6a: {  	v3 =	vand.u32 $0x7, v3  }
0x6b: {  	v3 =	vor.u32 v3, v4  }
0x6c: {  	v4 =	vperm.xlane v3, v0;
	_ =	sdelay $0x1  }
0x6d: {  	v4 =	vadd.s32 v1, v4;
	_ =	sdelay $0x3  }
0x6e: {  	s0 =	rddreg [dreg:$0x16];
	v3 =	vperm.xlane v3, v2  }
0x6f: {  	[hbm4b:s2+s3] =	stream.indirect_vreg.scatter [tilespmem:s0], [sflag:$0x1], $0x80, v4, vm0, $0xb8;
	[tilespmem:$0x18080] =	vst v63  }
0x70: {  	s9 =	rddreg [dreg:$0x17];
	v3 =	vadd.s32 v1, v3  }
0x71: {  	[hbm4b:s4+s3] =	stream.indirect_vreg.scatter [tilespmem:s9], [sflag:$0x1], $0x80, v4, vm0, $0xb8;
	[tilespmem:$0x18080] =	vst v63  }
0x72: {  	s0 =	rddreg [dreg:$0x18]  }
0x73: {  	[hbm4b:s5+s3] =	stream.indirect_vreg.scatter [tilespmem:s0], [sflag:$0x1], $0x80, v4, vm0, $0xb8;
	[tilespmem:$0x18080] =	vst v63  }
0x74: {  	s9 =	rddreg [dreg:$0x19]  }
0x75: {  	[hbm4b:s2+s3] =	stream.indirect_vreg.scatter [tilespmem:s9], [sflag:$0x1], $0x80, v3, vm0, $0xb8;
	[tilespmem:$0x18080] =	vst v63  }
0x76: {  	s0 =	rddreg [dreg:$0x1a]  }
0x77: {  	[hbm4b:s4+s3] =	stream.indirect_vreg.scatter [tilespmem:s0], [sflag:$0x1], $0x80, v3, vm0, $0xb8;
	[tilespmem:$0x18080] =	vst v63  }
0x78: {  	s9 =	rddreg [dreg:$0x1b]  }
0x79: {  	[hbm4b:s5+s3] =	stream.indirect_vreg.scatter [tilespmem:s9], [sflag:$0x1], $0x80, v3, vm0, $0xb8;
	[tilespmem:$0x18080] =	vst v63  }
0x7a: {  	v3 =	vld [tilespmem:$0x40];
	_ =	sdelay $0x4  }
0x7b: {  	v60 =	vshrl.u32 v3, $0x3  }
0x7c: {  	v4 =	vmul.u32 $0x30, v60  }
0x7d: {  	v3 =	vand.u32 $0x7, v3  }
0x7e: {  	v3 =	vor.u32 v3, v4  }
0x7f: {  	v4 =	vperm.xlane v3, v0;
	_ =	sdelay $0x1  }
0x80: {  	v4 =	vadd.s32 v1, v4;
	_ =	sdelay $0x3  }
0x81: {  	s0 =	rddreg [dreg:$0x1c];
	v3 =	vperm.xlane v3, v2  }
0x82: {  	[hbm4b:s2+s3] =	stream.indirect_vreg.scatter [tilespmem:s0], [sflag:$0x1], $0x80, v4, vm0, $0xb8;
	[tilespmem:$0x18080] =	vst v63  }
0x83: {  	s9 =	rddreg [dreg:$0x1d];
	v3 =	vadd.s32 v1, v3  }
0x84: {  	[hbm4b:s4+s3] =	stream.indirect_vreg.scatter [tilespmem:s9], [sflag:$0x1], $0x80, v4, vm0, $0xb8;
	[tilespmem:$0x18080] =	vst v63  }
0x85: {  	s9 =	simm.s32 $0xD080  }
0x86: {  	[hbm4b:s5+s3] =	stream.indirect_vreg.scatter [tilespmem:s9], [sflag:$0x1], $0x80, v4, vm0, $0xb8;
	[tilespmem:$0x18080] =	vst v63  }
0x87: {  	_ = 	snop  }
0x88: {  	[hbm4b:s2+s3] =	stream.indirect_vreg.scatter [tilespmem:s10], [sflag:$0x1], $0x80, v3, vm0, $0xb8;
	[tilespmem:$0x18080] =	vst v63  }
0x89: {  	_ = 	snop  }
0x8a: {  	[hbm4b:s4+s3] =	stream.indirect_vreg.scatter [tilespmem:s11], [sflag:$0x1], $0x80, v3, vm0, $0xb8;
	[tilespmem:$0x18080] =	vst v63  }
0x8b: {  	_ = 	snop  }
0x8c: {  	[hbm4b:s5+s3] =	stream.indirect_vreg.scatter [tilespmem:s12], [sflag:$0x1], $0x80, v3, vm0, $0xb8;
	[tilespmem:$0x18080] =	vst v63  }
0x8d: {  	v3 =	vld [tilespmem:$0x50];
	_ =	sdelay $0x4  }
0x8e: {  	v61 =	vshrl.u32 v3, $0x3  }
0x8f: {  	v4 =	vmul.u32 $0x30, v61  }
0x90: {  	v3 =	vand.u32 $0x7, v3  }
0x91: {  	v3 =	vor.u32 v3, v4  }
0x92: {  	v4 =	vperm.xlane v3, v0;
	_ =	sdelay $0x1  }
0x93: {  	v4 =	vadd.s32 v1, v4;
	_ =	sdelay $0x3  }
0x94: {  	v3 =	vperm.xlane v3, v2  }
0x95: {  	[hbm4b:s2+s3] =	stream.indirect_vreg.scatter [tilespmem:s13], [sflag:$0x1], $0x80, v4, vm0, $0xb8;
	[tilespmem:$0x18080] =	vst v63  }
0x96: {  	v3 =	vadd.s32 v1, v3  }
0x97: {  	[hbm4b:s4+s3] =	stream.indirect_vreg.scatter [tilespmem:s14], [sflag:$0x1], $0x80, v4, vm0, $0xb8;
	[tilespmem:$0x18080] =	vst v63  }
0x98: {  	_ = 	snop  }
0x99: {  	[hbm4b:s5+s3] =	stream.indirect_vreg.scatter [tilespmem:s15], [sflag:$0x1], $0x80, v4, vm0, $0xb8;
	[tilespmem:$0x18080] =	vst v63  }
0x9a: {  	_ = 	snop  }
0x9b: {  	[hbm4b:s2+s3] =	stream.indirect_vreg.scatter [tilespmem:s16], [sflag:$0x1], $0x80, v3, vm0, $0xb8;
	[tilespmem:$0x18080] =	vst v63  }
0x9c: {  	_ = 	snop  }
0x9d: {  	[hbm4b:s4+s3] =	stream.indirect_vreg.scatter [tilespmem:s17], [sflag:$0x1], $0x80, v3, vm0, $0xb8;
	[tilespmem:$0x18080] =	vst v63  }
0x9e: {  	_ = 	snop  }
0x9f: {  	[hbm4b:s5+s3] =	stream.indirect_vreg.scatter [tilespmem:s18], [sflag:$0x1], $0x80, v3, vm0, $0xb8;
	[tilespmem:$0x18080] =	vst v63  }
0xa0: {  	v3 =	vld [tilespmem:$0x60];
	_ =	sdelay $0x4  }
0xa1: {  	v62 =	vshrl.u32 v3, $0x3  }
0xa2: {  	v4 =	vmul.u32 $0x30, v62  }
0xa3: {  	v3 =	vand.u32 $0x7, v3  }
0xa4: {  	v3 =	vor.u32 v3, v4  }
0xa5: {  	v4 =	vperm.xlane v3, v0;
	_ =	sdelay $0x1  }
0xa6: {  	v4 =	vadd.s32 v1, v4;
	_ =	sdelay $0x3  }
0xa7: {  	v3 =	vperm.xlane v3, v2  }
0xa8: {  	[hbm4b:s2+s3] =	stream.indirect_vreg.scatter [tilespmem:s19], [sflag:$0x1], $0x80, v4, vm0, $0xb8;
	[tilespmem:$0x18080] =	vst v63  }
0xa9: {  	v3 =	vadd.s32 v1, v3  }
0xaa: {  	[hbm4b:s4+s3] =	stream.indirect_vreg.scatter [tilespmem:s20], [sflag:$0x1], $0x80, v4, vm0, $0xb8;
	[tilespmem:$0x18080] =	vst v63  }
0xab: {  	_ = 	snop  }
0xac: {  	[hbm4b:s5+s3] =	stream.indirect_vreg.scatter [tilespmem:s21], [sflag:$0x1], $0x80, v4, vm0, $0xb8;
	[tilespmem:$0x18080] =	vst v63  }
0xad: {  	_ = 	snop  }
0xae: {  	[hbm4b:s2+s3] =	stream.indirect_vreg.scatter [tilespmem:s22], [sflag:$0x1], $0x80, v3, vm0, $0xb8;
	[tilespmem:$0x18080] =	vst v63  }
0xaf: {  	_ = 	snop  }
0xb0: {  	[hbm4b:s4+s3] =	stream.indirect_vreg.scatter [tilespmem:s23], [sflag:$0x1], $0x80, v3, vm0, $0xb8;
	[tilespmem:$0x18080] =	vst v63  }
0xb1: {  	_ = 	snop  }
0xb2: {  	[hbm4b:s5+s3] =	stream.indirect_vreg.scatter [tilespmem:s24], [sflag:$0x1], $0x80, v3, vm0, $0xb8;
	[tilespmem:$0x18080] =	vst v63  }
0xb3: {  	v3 =	vld [tilespmem:$0x70];
	_ =	sdelay $0x4  }
0xb4: {  	v63 =	vshrl.u32 v3, $0x3  }
0xb5: {  	v4 =	vmul.u32 $0x30, v63  }
0xb6: {  	v3 =	vand.u32 $0x7, v3  }
0xb7: {  	v3 =	vor.u32 v3, v4  }
0xb8: {  	v4 =	vperm.xlane v3, v0;
	_ =	sdelay $0x1  }
0xb9: {  	v4 =	vadd.s32 v1, v4;
	_ =	sdelay $0x3  }
0xba: {  	v3 =	vperm.xlane v3, v2  }
0xbb: {  	[hbm4b:s2+s3] =	stream.indirect_vreg.scatter [tilespmem:s25], [sflag:$0x1], $0x80, v4, vm0, $0xb8;
	[tilespmem:$0x18080] =	vst v63  }
0xbc: {  	v3 =	vadd.s32 v1, v3  }
0xbd: {  	[hbm4b:s4+s3] =	stream.indirect_vreg.scatter [tilespmem:s26], [sflag:$0x1], $0x80, v4, vm0, $0xb8;
	[tilespmem:$0x18080] =	vst v63  }
0xbe: {  	_ = 	snop  }
0xbf: {  	[hbm4b:s5+s3] =	stream.indirect_vreg.scatter [tilespmem:s28], [sflag:$0x1], $0x80, v4, vm0, $0xb8;
	[tilespmem:$0x18080] =	vst v63  }
0xc0: {  	_ = 	snop  }
0xc1: {  	[hbm4b:s2+s3] =	stream.indirect_vreg.scatter [tilespmem:s29], [sflag:$0x1], $0x80, v3, vm0, $0xb8;
	[tilespmem:$0x18080] =	vst v63  }
0xc2: {  	p0 =	sne.s32 s6, $0x1  }
0xc3: {  	[hbm4b:s4+s3] =	stream.indirect_vreg.scatter [tilespmem:s30], [sflag:$0x1], $0x80, v3, vm0, $0xb8;
	[tilespmem:$0x18080] =	vst v63  }
.Ltmp0:
0xc4: {  	_ = 	snop;
	(pc) =	sbr.rel @p0 .LBB2_1-.Ltmp0, $4  }
0xc5: {  	[hbm4b:s5+s3] =	stream.indirect_vreg.scatter [tilespmem:s31], [sflag:$0x1], $0x80, v3, vm0, $0xb8;
	[tilespmem:$0x18080] =	vst v63  }
0xc6: {  	_ =	swait.ge [sflag:s1], $0x18000  }
0xc7: {  	[sflag:s1] =	ssyncset.done $0x0  }
0xc8: {  	s6 =	sadd.s32 $0xFFFFFFFF, s6;
	[sflag:s1] =	ssyncadd.s32 $0xFFFE8000  }
0xc9: {  	_ =	sfence.sel $0x180000  }
0xca: {  	[bflag:$0x0] =	sbarrier.arrive $0xFFFF  }
0xcb: {  	_ =	strace $0x9000004D  }
0xcc: {  	s0 =	stileid.u32;
	[bflag:$0x2] =	sbarrier.arrive $0xFFFF  }
0xcd: {  	p0 =	sne.s32 s0, $0x0;
	s0 =	rddreg [dreg:$0x2]  }
0xce: {  	s0 =	sadd.s32 @!p0 $0x100000, s0  }
0xcf: {  	[sflag:s0] =	ssyncadd.tile.s32 @!p0 $0x1;
	_ =	shalt  }
.Lfunc_end2:
_tile_overlayer_lowered:
.L_overlay_start_2:
0xd0: {  	(tag) =	ssettag $0x2  }
0xd1: {  	s0 =	rddreg [dreg:$0x0];
	s2 =	stileid.u32  }
0xd2: {  	s1 =	rddreg [dreg:$0x1];
	p0 =	sne.s32 s2, $0x0  }
0xd3: {  	s3 =	rddreg [dreg:$0x2];
	[bflag:$0x3] =	sbarrier.arrive $0xFFFF;
	s2 =	simm.s32 @!p0 $0x1C02  }
0xd4: {  	[timem:s3], [sflag:s2] =	dma.local @!p0 [hbm:s0], s1  }
0xd5: {  	s0 =	simm.s32 @!p0 $0x2  }
0xd6: {  	_ =	swait.ge @!p0 [sflag:s0], s1  }
0xd7: {  	s1 =	ssub.s32 @!p0 $0x0, s1;
	[sflag:s0] =	ssyncset.done @!p0 $0x0  }
0xd8: {  	[sflag:s0] =	ssyncadd.s32 @!p0 s1  }
0xd9: {  	[bflag:$0x3] =	sbarrier.arrive $0xFFFF  }
0xda: {  	_ =	shalt  }

// kernel: kernel.7.cloned.1.call-start
scs
__scs_entry_jumppad:
0x0: {  	(pc) =	sbr.rel $0x88, $3  }
0x1: {  	(tag) =	ssettag $0x0;
	lr =	simm.s32 $0x1  }
0x2: {  	[smem:$0x3F9C] =	sst lr;
	_ =	strace $0xD0000000  }
0x3: {  	_ = 	snop  }
0x4: {  	_ = 	snop  }
0x5: {  	_ = 	snop  }
0x6: {  	_ = 	snop  }
0x7: {  	_ = 	snop  }
__scs_overlays_trampoline_lowered:
0x8: {  	[smem:$0x3FAB] =	sst s0  }
0x9: {  	[smem:$0x3FAC] =	sst s1  }
0xa: {  	[smem:$0x3FAD] =	sst s2  }
0xb: {  	[smem:$0x3FAE] =	sst s3  }
0xc: {  	[smem:$0x3FAF] =	sst s4  }
0xd: {  	[smem:$0x3FB0] =	sst s5  }
0xe: {  	[smem:$0x3FB1] =	sst s6  }
0xf: {  	[smem:$0x3FB2] =	sst s7  }
0x10: {  	[smem:$0x3FB3] =	sst s8  }
0x11: {  	[smem:$0x3FB4] =	sst s9;
	s0 =	simm.s32 @!p0 $0x0  }
0x12: {  	s1 =	sld [smem:$0x3F9A];
	s0 =	simm.s32 @p0 $0x1  }
0x13: {  	[smem:$0x3FB5] =	sst s0;
	s0 =	simm.s32 @!p1 $0x0  }
0x14: {  	s2 =	sld [smem:$0x3F99];
	s0 =	simm.s32 @p1 $0x1  }
0x15: {  	[smem:$0x3FB6] =	sst s0;
	s0 =	simm.s32 @!p2 $0x0  }
0x16: {  	s3 =	sld [smem:$0x3FDB];
	s0 =	simm.s32 @p2 $0x1  }
0x17: {  	s4 =	simm.s32 $0x1BF5;
	[smem:$0x3FB8] =	sst s0  }
0x18: {  	s0 =	sld [smem:$0x3F9B];
	_ =	swait.ge [sflag:s4], $0x0  }
0x19: {  	s7 =	sld [smem:$0x3F9C]  }
0x1a: {  	s8 =	sadd.s32 $0xFFFFE003, lr  }
0x1b: {  	s9 =	sadd.s32 $0xFFFFFEF7, lr;
	s5 =	simm.s32 $0xFFFFFFFF;
	p2 =	slt.u32 s8, $0xFFFFF086  }
0x1c: {  	p1 =	slt.u32 s9, $0xF7A;
	s5 =	simm.s32 @!p2 $0x0  }
0x1d: {  	s5 =	simm.s32 @p1 $0x1;
	p0 =	seq.s32 s7, s2  }
0x1e: {  	s7 =	smul.u32 @!p0 $0xF7A, s2;
	p2 =	seq.s32 @!p0 s5, $0x0  }
0x1f: {  	s9 =	smul.u32 $0xF7A, s1;
	s8 =	simm.s32 @!p0 $0x1BF5;
	p2 =	por !p2, p0  }
0x20: {  	[sflag:s8] =	ssyncset.s32 @!p0 $0xFFFFF086;
	s6 =	sadd.s32 @!p0 s3, s7;
	s7 =	simm.s32 @!p0 $0x108  }
0x21: {  	s3 =	sadd.s32 s3, s9;
	s6 =	sadd.s32 @!p0 $0x88, s6;
	s7 =	simm.s32 @p2 $0x1082  }
0x22: {  	[simem:s7], [sflag:s8] =	dma.local @!p0 [hbm:s6], $0xF7A  }
0x23: {  	s9 =	sor.u32 $0xD0000000, s2;
	s6 =	simm.s32 $0x108;
	_ =	swait.ge @!p0 [sflag:s8], $0x0  }
0x24: {  	s3 =	sadd.s32 $0x88, s3;
	s6 =	simm.s32 @!p1 $0x1082;
	[sflag:s4] =	ssyncset.s32 $0xFFFFF086  }
0x25: {  	[simem:s6], [sflag:s4] =	dma.local [hbm:s3], $0xF7A  }
0x26: {  	[smem:$0x3F9C] =	sst s1;
	(tag) =	ssettag s2;
	_ =	strace s9  }
0x27: {  	s1 =	sld [smem:$0x3FAC]  }
0x28: {  	s2 =	sld [smem:$0x3FAD]  }
0x29: {  	s4 =	sld [smem:$0x3FAF]  }
0x2a: {  	p0 =	seq.s32 s5, $0x0;
	s5 =	sld [smem:$0x3FB0]  }
0x2b: {  	s6 =	sld [smem:$0x3FB1]  }
0x2c: {  	s7 =	sld [smem:$0x3FB2]  }
0x2d: {  	s3 =	simm.s32 $0x108;
	s8 =	sld [smem:$0x3FB3]  }
0x2e: {  	s3 =	simm.s32 @!p0 $0x1082;
	s9 =	sld [smem:$0x3FB4]  }
0x2f: {  	lr =	sadd.s32 s0, s3;
	s0 =	sld [smem:$0x3FAB]  }
0x30: {  	s3 =	sld [smem:$0x3FAE]  }
0x31: {  	[smem:$0x3FB7] =	sst s10  }
0x32: {  	s10 =	sld [smem:$0x3FB5];
	_ =	sdelay $0x3  }
0x33: {  	p0 =	seq.s32 s10, $0x1;
	s10 =	sld [smem:$0x3FB7];
	_ =	sdelay $0x3  }
0x34: {  	[smem:$0x3FB7] =	sst s10  }
0x35: {  	s10 =	sld [smem:$0x3FB6];
	_ =	sdelay $0x3  }
0x36: {  	p1 =	seq.s32 s10, $0x1;
	s10 =	sld [smem:$0x3FB7];
	_ =	sdelay $0x3  }
0x37: {  	[smem:$0x3FB7] =	sst s10  }
0x38: {  	s10 =	sld [smem:$0x3FB8]  }
0x39: {  	_ = 	snop;
	(pc) =	sbr.ind lr, $3  }
0x3a: {  	_ = 	snop  }
0x3b: {  	_ = 	snop  }
0x3c: {  	p2 =	seq.s32 s10, $0x1;
	s10 =	sld [smem:$0x3FB7]  }
0x3d: {  	_ =	shalt  }
0x3e: {  	_ =	shalt  }
0x3f: {  	_ =	shalt  }
0x40: {  	_ =	shalt  }
0x41: {  	_ =	shalt  }
0x42: {  	_ =	shalt  }
0x43: {  	_ =	shalt  }
0x44: {  	_ =	shalt  }
0x45: {  	_ =	shalt  }
0x46: {  	_ =	shalt  }
0x47: {  	_ =	shalt  }
0x48: {  	_ =	shalt  }
0x49: {  	_ =	shalt  }
0x4a: {  	_ =	shalt  }
0x4b: {  	_ =	shalt  }
0x4c: {  	_ =	shalt  }
0x4d: {  	_ =	shalt  }
0x4e: {  	_ =	shalt  }
0x4f: {  	_ =	shalt  }
0x50: {  	_ =	shalt  }
0x51: {  	_ =	shalt  }
0x52: {  	_ =	shalt  }
0x53: {  	_ =	shalt  }
0x54: {  	_ =	shalt  }
0x55: {  	_ =	shalt  }
0x56: {  	_ =	shalt  }
0x57: {  	_ =	shalt  }
0x58: {  	_ =	shalt  }
0x59: {  	_ =	shalt  }
0x5a: {  	_ =	shalt  }
0x5b: {  	_ =	shalt  }
0x5c: {  	_ =	shalt  }
0x5d: {  	_ =	shalt  }
0x5e: {  	_ =	shalt  }
0x5f: {  	_ =	shalt  }
0x60: {  	_ =	shalt  }
0x61: {  	_ =	shalt  }
0x62: {  	_ =	shalt  }
0x63: {  	_ =	shalt  }
0x64: {  	_ =	shalt  }
0x65: {  	_ =	shalt  }
0x66: {  	_ =	shalt  }
0x67: {  	_ =	shalt  }
0x68: {  	_ =	shalt  }
0x69: {  	_ =	shalt  }
0x6a: {  	_ =	shalt  }
0x6b: {  	_ =	shalt  }
0x6c: {  	_ =	shalt  }
0x6d: {  	_ =	shalt  }
0x6e: {  	_ =	shalt  }
0x6f: {  	_ =	shalt  }
0x70: {  	_ =	shalt  }
0x71: {  	_ =	shalt  }
0x72: {  	_ =	shalt  }
0x73: {  	_ =	shalt  }
0x74: {  	_ =	shalt  }
0x75: {  	_ =	shalt  }
0x76: {  	_ =	shalt  }
0x77: {  	_ =	shalt  }
0x78: {  	_ =	shalt  }
0x79: {  	_ =	shalt  }
0x7a: {  	_ =	shalt  }
0x7b: {  	_ =	shalt  }
0x7c: {  	_ =	shalt  }
0x7d: {  	_ =	shalt  }
0x7e: {  	_ =	shalt  }
0x7f: {  	_ =	shalt  }
0x80: {  	_ =	shalt  }
0x81: {  	_ =	shalt  }
0x82: {  	_ =	shalt  }
0x83: {  	_ =	shalt  }
0x84: {  	_ =	shalt  }
0x85: {  	_ =	shalt  }
0x86: {  	_ =	shalt  }
0x87: {  	_ =	shalt  }
.Lfunc_end0:
.L_simem_size_0:
called_computation_lowered:
.L_overlay_start_0:
0x88: {  	s2 =	sld [smem:$0x3FD9]  }
0x89: {  	s3 =	sld [smem:$0x3FFE];
	_ =	sdelay $0x1  }
0x8a: {  	s1 =	srdreg.scid  }
0x8b: {  	s0 =	sand.u32 $0x1, s1  }
0x8c: {  	s16 =	sshll.u32 s0, $0xA;
	s2 =	sadd.s32 s3, s2  }
0x8d: {  	s2 =	sadd.s32 s2, s16  }
0x8e: {  	[smem:$0x3FC3] =	sst s2  }
0x8f: {  	_ = 	snop  }
0x90: {  	(tm) =	ssettm $0x1  }
0x91: {  	s17 =	sld [smem:$0x3FFB];
	_ =	sdelay $0x3  }
0x92: {  	_ =	strace s17  }
0x93: {  	s2 =	sld [smem:$0x3FFC];
	_ =	sdelay $0x3  }
0x94: {  	_ =	strace s2  }
0x95: {  	s2 =	sld [smem:$0x3FFD];
	_ =	sdelay $0x3  }
0x96: {  	_ =	strace s2  }
0x97: {  	_ =	strace $0x8FFFFFFF  }
0x98: {  	s18 =	sld [smem:$0x3FDB];
	_ =	sdelay $0x1  }
0x99: {  	s19 =	simm.s32 $_scs_section_size  }
0x9a: {  	s4 =	simm.s32 $_size__tile_overlayer_lowered;
	s5 =	simm.s32 $_tile_overlayer_lowered  }
0x9b: {  	s22 =	simm.s32 $0x1BFF;
	s21 =	sshll.u32 s5, $0x1;
	s2 =	sadd.s32 s19, s18  }
0x9c: {  	s6 =	simm.s32 $0x0;
	s20 =	sshll.u32 s4, $0x1;
	s4 =	sadd.s32 s21, s2  }
0x9d: {  	[timem:s6], [sflag:s22] =	dma.local [hbm:s4], s20  }
0x9e: {  	_ =	swait.ge [sflag:s22], s20  }
0x9f: {  	s3 =	ssub.s32 $0x0, s20;
	[sflag:s22] =	ssyncset.done $0x0  }
0xa0: {  	[sflag:s22] =	ssyncadd.s32 s3;
	_ =	sdelay $0x1  }
0xa1: {  	s23 =	simm.s32 $0x1B8B  }
0xa2: {  	_ =	swait.ge [sflag:s23], $0x1  }
0xa3: {  	[sflag:s23] =	ssyncset.done $0x0  }
0xa4: {  	s25 =	simm.s32 $0x1B8E;
	s24 =	sld [smem:$0x3FFE];
	[sflag:s23] =	ssyncadd.s32 $0xFFFFFFFF  }
0xa5: {  	s26 =	simm.s32 $execute0_lowered;
	[smem:$0x3FD2] =	sst s25  }
0xa6: {  	s4 =	sshll.u32 s26, $0x1;
	_ =	strace $0x80000046;
	[dreg:$0x1] =	wrdreg $0xFFFFFFFF  }
0xa7: {  	s28 =	simm.s32 $_size_execute0_lowered;
	s2 =	sadd.s32 s2, s4;
	[dreg:$0x0] =	wrdreg $0x0  }
0xa8: {  	s4 =	sshll.u32 s28, $0x1;
	[dreg:$0x2] =	wrdreg s2  }
0xa9: {  	[dreg:$0x3] =	wrdreg s4  }
0xaa: {  	[dreg:$0x4] =	wrdreg $0xC0  }
0xab: {  	_ =	task [dreg:s6], $0x5FFFF  }
0xac: {  	[dreg:$0x1] =	wrdreg $0xFFFFFFFF  }
0xad: {  	[dreg:$0x0] =	wrdreg $0x60  }
0xae: {  	[dreg:$0x2] =	wrdreg s24  }
0xaf: {  	[dreg:$0x3] =	wrdreg $0x9  }
0xb0: {  	_ =	task.clear_ibuf [dreg:s6], $0x4FFFF;
	_ =	strace $0x90000046  }
0xb1: {  	s29 =	simm.s32 $0x9;
	_ =	strace $0x80000048  }
0xb2: {  	_ =	swait.ge [sflag:s29], $0x1  }
0xb3: {  	[sflag:s29] =	ssyncadd.s32 $0xFFFFFFFF  }
0xb4: {  	_ =	strace $0x90000048  }
0xb5: {  	_ =	sfence  }
0xb6: {  	s30 =	sld [smem:$0x0];
	_ =	sdelay $0x2  }
0xb7: {  	s31 =	sshll.u32 s1, $0xD;
	s1 =	sshrl.u32 s1, $0x2  }
0xb8: {  	s3 =	sand.u32 $0x4000, s31;
	s1 =	sadd.s32 s1, s30  }
0xb9: {  	s0 =	sor.u32 s3, s0;
	s1 =	sshll.u32 s1, $0x11  }
0xba: {  	s0 =	sor.u32 s1, s0  }
0xbb: {  	s0 =	sadd.s32 $0x8F2B, s0  }
0xbc: {  	[sflag:s0] =	ssyncadd.remote.s32 $0x1  }
0xbd: {  	_ =	sfence.sel $0xFFFF  }
0xbe: {  	[dreg:$0x0] =	wrdreg $0xFFFFFFFF;
	(pc) =	sbr.abs _section_cstart, $3  }
0xbf: {  	[dreg:$0x1] =	wrdreg $0xFFFFFFFF  }
0xc0: {  	_ =	task.clear_ibuf [dreg:s6], $0x2FFFF;
	_ =	strace $0x9FFFFFFF  }
0xc1: {  	(tm) =	ssettm $0x7FFFFFFF  }
tec
execute0_lowered:
.L_overlay_start_1:
0x0: {  	(tag) =	ssettag $0x1  }
0x1: {  	s1 =	stileid.u32  }
0x2: {  	p0 =	sgt.u32 s1, $0x1  }
.Ltmp0:
0x3: {  	_ = 	snop;
	(pc) =	sbr.rel @p0 .LBB2_5-.Ltmp0, $4  }
0x4: {  	_ = 	snop  }
0x5: {  	s3 =	rddreg [dreg:$0x0];
	s2 =	simm.s32 $0x0  }
0x6: {  	[smem:$0x7FF] =	sst s2  }
0x7: {  	s0 =	rddreg [dreg:$0x1];
	_ =	strace $0x80000047  }
0x8: {  	v0 =	vimm.s32 $0xEDCBA987  }
0x9: {  	v0 =	vunpack.c.l.s4.s8 v0  }
0xa: {  	v1 =	vimm.s32 $0x65432100  }
0xb: {  	v2 =	vimm.s32 $0xDCBA9876;
	v1 =	vunpack.c.l.s4.s8 v1;
	v0 =	vunpack.c.0.s8.s32 v0  }
0xc: {  	v2 =	vunpack.c.l.s4.s8 v2  }
0xd: {  	v1 =	vunpack.c.0.s8.s32 v1;
	v3 =	vand.u32 $0xF, v0;
	v0 =	vimm.s32 $0x54321000  }
0xe: {  	v5 =	vimm.s32 $0xE40000;
	v2 =	vunpack.c.0.s8.s32 v2;
	v4 =	vunpack.c.l.s4.s8 v0  }
0xf: {  	s4 =	srdreg.scid;
	s29 =	sshll.u32 s1, $0x1;
	s6 =	sadd.s32 $0x2000, s3;
	v6 =	vimm.s32 $0x32100000;
	v1 =	vcombine.low v1, v3;
	v3 =	vunpack.c.l.s2.s4 v5  }
0x10: {  	s30 =	sshll.u32 s1, $0xE;
	s12 =	simm.s32 $0x2000;
	s13 =	simm.s32 $0x4000;
	v5 =	vand.u32 $0xF, v2;
	v2 =	vimm.s32 $0xBA987654;
	v4 =	vunpack.c.0.s8.s32 v4  }
0x11: {  	vm0 =	vmmov $0x3;
	s14 =	simm.s32 $0x4480;
	s15 =	simm.s32 $0x0;
	s7 =	sand.u32 $0x1, s4;
	v7 =	vunpack.c.l.s4.s8 v2;
	v8 =	vunpack.c.l.s4.s8 v3  }
0x12: {  	vm2 =	vcmask $0x3F30;
	s4 =	sor.u32 s7, s29;
	s9 =	ssub.s32 $0x2, s7;
	s31 =	sshll.u32 s7, $0xD;
	v3 =	vcombine.low v4, v5;
	v4 =	vunpack.c.l.s4.s8 v6  }
0x13: {  	s8 =	sshll.u32 s4, $0x4;
	s4 =	sshll.u32 s4, $0x7;
	s11 =	sshrl.u32 s9, $0x1;
	v5 =	vunpack.c.0.s8.s32 v7;
	v6 =	vimm.s32 $0x7060504;
	v7 =	vunpack.c.0.s8.s32 v8  }
0x14: {  	vm1 =	vmmov $0xf;
	s5 =	sadd.s32 s8, s3;
	s10 =	sadd.s32 s4, s3;
	s9 =	ssub.s32 s9, s11;
	v6 =	vunpack.c.0.s8.s32 v6;
	v4 =	vunpack.c.0.s8.s32 v4  }
0x15: {  	s6 =	sadd.s32 s6, s8;
	s8 =	sor.u32 s31, s30;
	s11 =	simm.s32 $0x1;
	v0 =	vlaneseq.u32;
	v5 =	vand.u32 $0xF, v5;
	v7 =	vand.u32 $0x3, v7  }
0x16: {  	s3 =	sadd.s32 $0x3000, s5;
	s4 =	sadd.s32 $0x4200, s10;
	s5 =	sadd.s32 $0x4000, s10;
	v2 =	vimm.s32 $0x0;
	v4 =	vcombine.low v4, v5;
	v5 =	vsel vm2, v6, v7  }
0x17: {  	s7 =	smax.u32 s9, $0x1;
	s9 =	simm.s32 $0x80;
	s10 =	simm.s32 $0x200;
	vm2 =	vmmov $0xff;
	v6 =	vimm.s32 $0x7;
	v7 =	vadd.s32 $0x1, v0  }
.LBB2_2:
0x18: {  	s16 =	simm.s32 $0x0  }
0x19: {  	[tilespmem:s16], [sflag:$0x1] =	stream.strided.gather [hbm4b:s6+s9], $0x2000, s10, s9, $0x38;
	[tilespmem:$0x4900] =	vst v63  }
0x1a: {  	_ =	swait.ge [sflag:s11], $0x2000  }
0x1b: {  	[sflag:s11] =	ssyncset.done $0x0  }
0x1c: {  	[sflag:s11] =	ssyncadd.s32 $0xFFFFE000  }
0x1d: {  	[tilespmem:s12], [sflag:$0x1] =	stream.strided.gather [hbm4b:s3+s9], $0x2000, s10, s9, $0x38;
	[tilespmem:$0x4900] =	vst v63  }
0x1e: {  	_ =	swait.ge [sflag:s11], $0x2000  }
0x1f: {  	[sflag:s11] =	ssyncset.done $0x0  }
0x20: {  	s17 =	simm.s32 $0x0;
	[sflag:s11] =	ssyncadd.s32 $0xFFFFE000  }
0x21: {  	v8 =	vld [tilespmem:s17+$0x0];
	_ =	sdelay $0x4  }
0x22: {  	vm3 =	vlt.f32 v8, $0.0e+00;
	vm4 =	vgt.f32 v8, $0.0e+00  }
0x23: {  	vm3 =	vmor vm4, vm3  }
0x24: {  	v8 =	vsel vm3, $0x1, v2  }
0x25: {  	v9 =	vperm.xlane v8, v1  }
0x26: {  	vm3 =	veq.s32 v0, $0x0  }
0x27: {  	v9 =	vsel vm3, $0x0, v9  }
0x28: {  	v8 =	vadd.s32 v8, v9  }
0x29: {  	v9 =	vperm.xlane v8, v3;
	_ =	sdelay $0x1  }
0x2a: {  	v9 =	vsel vm0, $0x0, v9  }
0x2b: {  	v8 =	vadd.s32 v9, v8  }
0x2c: {  	v9 =	vperm.xlane v8, v4;
	_ =	sdelay $0x1  }
0x2d: {  	v9 =	vsel vm1, $0x0, v9  }
0x2e: {  	v8 =	vadd.s32 v9, v8  }
0x2f: {  	v9 =	vperm.xlane v8, v5;
	_ =	sdelay $0x1  }
0x30: {  	v9 =	vsel vm2, $0x0, v9  }
0x31: {  	v8 =	vadd.s32 v9, v8  }
0x32: {  	v9 =	vperm.xlane v8, v6;
	_ =	sdelay $0x1  }
0x33: {  	vm4 =	vlt.s32 v9, v7  }
0x34: {  	v9 =	vsel vm4, $0x8, v2  }
0x35: {  	v10 =	vor.u32 $0x3, v9  }
0x36: {  	(v2sf) =	vpush v8, $0xF;
	v10 =	vperm.xlane v8, v10;
	_ =	sdelay $0x1  }
0x37: {  	v11 =	vor.u32 $0x4, v9;
	vm4 =	vlt.s32 v10, v7  }
0x38: {  	v9 =	vsel vm4, v11, v9  }
0x39: {  	v61 =	vor.u32 $0x1, v9  }
0x3a: {  	v10 =	vperm.xlane v8, v61;
	_ =	sdelay $0x1  }
0x3b: {  	v11 =	vor.u32 $0x2, v9;
	vm4 =	vlt.s32 v10, v7  }
0x3c: {  	v9 =	vsel vm4, v11, v9  }
0x3d: {  	v62 =	vld [tilespmem:s17+$0x2000];
	v8 =	vperm.xlane v8, v9;
	_ =	sdelay $0x1  }
0x3e: {  	vm4 =	vlt.s32 v8, v7  }
0x3f: {  	v8 =	vsel vm4, $0x1, v2  }
0x40: {  	v8 =	vor.u32 v8, v9  }
0x41: {  	v63 =	vor.u32 s8, v0;
	v10 =	vperm.xlane v62, v8  }
0x42: {  	s31 =	spop (v2sf);
	v8 =	vperm.xlane v63, v8  }
0x43: {  	s18 =	simm.s32 $0x10;
	s19 =	sadd.s32 $0x0, s31;
	[tilespmem:s16+$0x4480] =	vst v10  }
0x44: {  	s20 =	simm.s32 $0x80;
	s17 =	smov.u32 s8;
	[tilespmem:s16+$0x4000] =	vst v8;
	s16 =	smov.u32 s19  }
.LBB2_3:
0x45: {  	p0 =	sne.s32 s20, $0x7FC0;
	v8 =	vld [tilespmem:s18+$0x0];
	_ =	sdelay $0x4  }
0x46: {  	vm4 =	vlt.f32 v8, $0.0e+00;
	vm5 =	vgt.f32 v8, $0.0e+00  }
0x47: {  	vm4 =	vmor vm5, vm4  }
0x48: {  	v8 =	vsel vm4, $0x1, v2  }
0x49: {  	v9 =	vperm.xlane v8, v1;
	_ =	sdelay $0x1  }
0x4a: {  	v9 =	vsel vm3, $0x0, v9  }
0x4b: {  	v8 =	vadd.s32 v8, v9  }
0x4c: {  	v9 =	vperm.xlane v8, v3;
	_ =	sdelay $0x1  }
0x4d: {  	v9 =	vsel vm0, $0x0, v9  }
0x4e: {  	v8 =	vadd.s32 v9, v8  }
0x4f: {  	v9 =	vperm.xlane v8, v4;
	_ =	sdelay $0x1  }
0x50: {  	v9 =	vsel vm1, $0x0, v9  }
0x51: {  	v8 =	vadd.s32 v9, v8  }
0x52: {  	v9 =	vperm.xlane v8, v5;
	_ =	sdelay $0x1  }
0x53: {  	v9 =	vsel vm2, $0x0, v9  }
0x54: {  	v8 =	vadd.s32 v9, v8  }
0x55: {  	v9 =	vperm.xlane v8, v6;
	(v2sf) =	vpush v8, $0xF;
	_ =	sdelay $0x1  }
0x56: {  	vm4 =	vlt.s32 v9, v7  }
0x57: {  	v9 =	vsel vm4, $0x8, v2  }
0x58: {  	v10 =	vor.u32 $0x3, v9  }
0x59: {  	v10 =	vperm.xlane v8, v10;
	_ =	sdelay $0x1  }
0x5a: {  	v11 =	vor.u32 $0x4, v9;
	vm4 =	vlt.s32 v10, v7  }
0x5b: {  	v9 =	vsel vm4, v11, v9  }
0x5c: {  	v10 =	vor.u32 $0x1, v9  }
0x5d: {  	v10 =	vperm.xlane v8, v10;
	_ =	sdelay $0x1  }
0x5e: {  	v11 =	vor.u32 $0x2, v9;
	vm4 =	vlt.s32 v10, v7  }
0x5f: {  	v9 =	vsel vm4, v11, v9  }
0x60: {  	v10 =	vld [tilespmem:s18+$0x2000];
	v8 =	vperm.xlane v8, v9  }
0x61: {  	s18 =	spop (v2sf)  }
0x62: {  	vm4 =	vlt.s32 v8, v7;
	s19 =	sadd.s32 s19, s18  }
0x63: {  	s17 =	sadd.s32 $0x10, s17;
	v8 =	vsel vm4, $0x1, v2  }
.Ltmp1:
0x64: {  	v11 =	vor.u32 s17, v0;
	v8 =	vor.u32 v8, v9;
	(pc) =	sbr.rel @p0 .LBB2_3-.Ltmp1, $3  }
0x65: {  	v9 =	vperm.xlane v11, v8;
	v8 =	vperm.xlane v10, v8;
	_ =	sdelay $0x1  }
0x66: {  	[tilespmem:s16+$0x4480] =	vst v8  }
0x67: {  	s18 =	sshra.s32 s20, $0x2;
	s20 =	sadd.s32 $0x40, s20;
	[tilespmem:s16+$0x4000] =	vst v9;
	s16 =	smov.u32 s19  }
0x68: {  	v8 =	vld [tilespmem:s18+$0x0];
	_ =	sdelay $0x4  }
0x69: {  	vm3 =	vlt.f32 v8, $0.0e+00;
	vm4 =	vgt.f32 v8, $0.0e+00  }
0x6a: {  	vm3 =	vmor vm4, vm3  }
0x6b: {  	v8 =	vsel vm3, $0x1, v2  }
0x6c: {  	v9 =	vperm.xlane v8, v1  }
0x6d: {  	vm3 =	veq.s32 v0, $0x0  }
0x6e: {  	v9 =	vsel vm3, $0x0, v9  }
0x6f: {  	v8 =	vadd.s32 v8, v9  }
0x70: {  	v9 =	vperm.xlane v8, v3;
	_ =	sdelay $0x1  }
0x71: {  	v9 =	vsel vm0, $0x0, v9  }
0x72: {  	v8 =	vadd.s32 v9, v8  }
0x73: {  	v9 =	vperm.xlane v8, v4;
	_ =	sdelay $0x1  }
0x74: {  	v9 =	vsel vm1, $0x0, v9  }
0x75: {  	v8 =	vadd.s32 v9, v8  }
0x76: {  	v9 =	vperm.xlane v8, v5;
	_ =	sdelay $0x1  }
0x77: {  	v9 =	vsel vm2, $0x0, v9  }
0x78: {  	v8 =	vadd.s32 v9, v8  }
0x79: {  	v9 =	vperm.xlane v8, v6;
	_ =	sdelay $0x1  }
0x7a: {  	vm3 =	vlt.s32 v9, v7  }
0x7b: {  	v9 =	vsel vm3, $0x8, v2  }
0x7c: {  	v10 =	vor.u32 $0x3, v9  }
0x7d: {  	v10 =	vperm.xlane v8, v10;
	_ =	sdelay $0x1  }
0x7e: {  	(v2sf) =	vpush v8, $0xF;
	v11 =	vor.u32 $0x4, v9;
	vm3 =	vlt.s32 v10, v7  }
0x7f: {  	v9 =	vsel vm3, v11, v9  }
0x80: {  	v61 =	vor.u32 $0x1, v9  }
0x81: {  	v10 =	vperm.xlane v8, v61;
	_ =	sdelay $0x1  }
0x82: {  	v11 =	vor.u32 $0x2, v9;
	vm3 =	vlt.s32 v10, v7  }
0x83: {  	v9 =	vsel vm3, v11, v9  }
0x84: {  	v62 =	vld [tilespmem:s18+$0x2000];
	v8 =	vperm.xlane v8, v9;
	_ =	sdelay $0x1  }
0x85: {  	vm3 =	vlt.s32 v8, v7  }
0x86: {  	v8 =	vsel vm3, $0x1, v2  }
0x87: {  	s17 =	sadd.s32 $0x10, s17;
	v8 =	vor.u32 v8, v9  }
0x88: {  	v63 =	vor.u32 s17, v0;
	v10 =	vperm.xlane v62, v8  }
0x89: {  	v8 =	vperm.xlane v63, v8  }
0x8a: {  	[tilespmem:s16+$0x4480] =	vst v10  }
0x8b: {  	s31 =	spop (v2sf);
	[tilespmem:s16+$0x4000] =	vst v8  }
0x8c: {  	[hbm4b:s4+s2] =	stream.linear.scatter [tilespmem:s13], [sflag:$0x1], $0x400, $0x38;
	[tilespmem:$0x4900] =	vst v63  }
0x8d: {  	s15 =	sadd.s32 $0x1, s15;
	_ =	swait.ge [sflag:s11], $0x400  }
0x8e: {  	p0 =	sne.s32 s15, s7;
	[sflag:s11] =	ssyncset.done $0x0  }
.Ltmp2:
0x8f: {  	[sflag:s11] =	ssyncadd.s32 $0xFFFFFC00;
	(pc) =	sbr.rel @p0 .LBB2_2-.Ltmp2, $4  }
0x90: {  	[hbm4b:s5+s2] =	stream.linear.scatter [tilespmem:s14], [sflag:$0x1], $0x400, $0x38;
	[tilespmem:$0x4900] =	vst v63  }
0x91: {  	_ =	swait.ge [sflag:s11], $0x400  }
0x92: {  	[sflag:s11] =	ssyncset.done $0x0  }
0x93: {  	[sflag:s11] =	ssyncadd.s32 $0xFFFFFC00  }
.LBB2_5:
0x94: {  	_ =	sfence.sel $0x180000  }
0x95: {  	[bflag:$0x0] =	sbarrier.arrive $0xFFFF  }
0x96: {  	p0 =	sne.s32 s1, $0x0;
	_ =	strace $0x90000047  }
0x97: {  	s0 =	sadd.s32 @!p0 $0x100000, s0;
	[bflag:$0x2] =	sbarrier.arrive $0xFFFF  }
0x98: {  	[sflag:s0] =	ssyncadd.tile.s32 @!p0 $0x1;
	_ =	shalt  }
.Lfunc_end2:
_tile_overlayer_lowered:
.L_overlay_start_2:
0x99: {  	(tag) =	ssettag $0x2  }
0x9a: {  	s0 =	rddreg [dreg:$0x0];
	s2 =	stileid.u32  }
0x9b: {  	s1 =	rddreg [dreg:$0x1];
	p0 =	sne.s32 s2, $0x0  }
0x9c: {  	s3 =	rddreg [dreg:$0x2];
	[bflag:$0x3] =	sbarrier.arrive $0xFFFF;
	s2 =	simm.s32 @!p0 $0x1C01  }
0x9d: {  	[timem:s3], [sflag:s2] =	dma.local @!p0 [hbm:s0], s1  }
0x9e: {  	s0 =	simm.s32 @!p0 $0x1  }
0x9f: {  	_ =	swait.ge @!p0 [sflag:s0], s1  }
0xa0: {  	s1 =	ssub.s32 @!p0 $0x0, s1;
	[sflag:s0] =	ssyncset.done @!p0 $0x0  }
0xa1: {  	[sflag:s0] =	ssyncadd.s32 @!p0 s1  }
0xa2: {  	[bflag:$0x3] =	sbarrier.arrive $0xFFFF  }
0xa3: {  	_ =	shalt  }

</sc_bundles>
